<compile_context>
chip_gen: v7x
topology: tpu7x:2x2x1
jax: 0.10.2.dev20260603
libtpu: 0.0.44.dev20260713+nightly
codegen_flags: <defaults>
</compile_context>

<pallas_src>
import jax
import jax.numpy as jnp
from jax import lax
from jax.experimental import pallas as pl
from jax.experimental.pallas import tpu as pltpu
from jax.experimental.pallas import tpu_sc as plsc

IDIM = 1024
HID = 4096
NE = 8
T = 8192
BLK = 256
NROWS = 18432
NBLK = NROWS // BLK

NW = 32
CHUNK = T // NW
SUB = 16
NSTEP = CHUNK // SUB

def _sc_mesh():
    return plsc.VectorSubcoreMesh(core_axis_name="c", subcore_axis_name="s")


def _route_meta_body(x_ref, gw_ref, d0_ref, d1_ref, w0_ref, w1_ref, be_ref, nz_ref):
    logits = lax.dot_general(gw_ref[...], x_ref[...], (((1,), (1,)), ((), ())),
                             preferred_element_type=jnp.float32)
    row = lax.broadcasted_iota(jnp.int32, (NE, T), 0)
    m1 = jnp.max(logits, axis=0, keepdims=True)
    e0 = jnp.min(jnp.where(logits == m1, row, NE), axis=0, keepdims=True)
    mask0 = row == e0
    l2 = jnp.where(mask0, -jnp.inf, logits)
    m2 = jnp.max(l2, axis=0, keepdims=True)
    e1 = jnp.min(jnp.where(l2 == m2, row, NE), axis=0, keepdims=True)
    mask1 = row == e1

    w0 = 1.0 / (1.0 + jnp.exp(m2 - m1))
    w0_ref[...] = w0[0]
    w1_ref[...] = (1.0 - w0)[0]

    s = mask0.astype(jnp.int32) + mask1.astype(jnp.int32)
    c = s
    k = 1
    while k < T:
        c = c + jnp.concatenate([jnp.zeros((NE, k), jnp.int32), c[:, :-k]], axis=1)
        k *= 2
    excl = c - s

    tot = lax.slice(c, (0, T - 1), (NE, T))
    pc = ((tot + (BLK - 1)) // BLK) * BLK
    ps = pc
    k = 1
    while k < NE:
        ps = ps + jnp.concatenate([jnp.zeros((k, 1), jnp.int32), ps[:-k]], axis=0)
        k *= 2
    ps = ps - pc

    d0_ref[...] = jnp.sum(jnp.where(mask0, excl + ps, 0), axis=0)
    d1_ref[...] = jnp.sum(jnp.where(mask1, excl + ps, 0), axis=0)

    r = lax.broadcasted_iota(jnp.int32, (1, NBLK), 1) * BLK
    be_ref[...] = jnp.sum((r >= ps).astype(jnp.int32), axis=0) - 1
    nz_ref[...] = jnp.sum(((r >= ps) & (r < ps + tot)).astype(jnp.int32), axis=0)


def _route_meta(x, gate_w):
    return pl.pallas_call(
        _route_meta_body,
        out_shape=(
            jax.ShapeDtypeStruct((T,), jnp.int32),
            jax.ShapeDtypeStruct((T,), jnp.int32),
            jax.ShapeDtypeStruct((T,), jnp.float32),
            jax.ShapeDtypeStruct((T,), jnp.float32),
            jax.ShapeDtypeStruct((NBLK,), jnp.int32),
            jax.ShapeDtypeStruct((NBLK,), jnp.int32),
        ),
        compiler_params=pltpu.CompilerParams(
            vmem_limit_bytes=100 * 1024 * 1024,
            skip_device_barrier=True,
        ),
    )(x, gate_w)


def _dispatch_body(x_hbm, d0_hbm, d1_hbm, xs_hbm,
                   i0all, i1all, xvA, xvB, sgA, sgB, scA, scB):
    wid = lax.axis_index("s") * 2 + lax.axis_index("c")
    base = wid * CHUNK
    pltpu.sync_copy(d0_hbm.at[pl.ds(base, CHUNK)], i0all)
    pltpu.sync_copy(d1_hbm.at[pl.ds(base, CHUNK)], i1all)

    def stage(xv, sg, s):
        pltpu.async_copy(x_hbm.at[pl.ds(base + s * SUB, SUB)], xv, sg)

    def scatter(xv, sg, sc, s):
        pltpu.make_async_copy(x_hbm.at[pl.ds(base, SUB)], xv, sg).wait()
        iv0 = i0all[pl.ds(s * SUB, SUB)]
        iv1 = i1all[pl.ds(s * SUB, SUB)]
        pltpu.async_copy(xv, xs_hbm.at[iv0], sc)
        pltpu.async_copy(xv, xs_hbm.at[iv1], sc)

    def drain(xv, sc):
        pltpu.make_async_copy(xv, xs_hbm.at[i0all[pl.ds(0, SUB)]], sc).wait()
        pltpu.make_async_copy(xv, xs_hbm.at[i0all[pl.ds(0, SUB)]], sc).wait()

    stage(xvA, sgA, 0)
    stage(xvB, sgB, 1)

    def step(j2, _):
        sA = 2 * j2
        scatter(xvA, sgA, scA, sA)

        @pl.when(j2 < NSTEP // 2 - 1)
        def _():
            drain(xvA, scA)
            stage(xvA, sgA, sA + 2)

        scatter(xvB, sgB, scB, sA + 1)

        @pl.when(j2 < NSTEP // 2 - 1)
        def _():
            drain(xvB, scB)
            stage(xvB, sgB, sA + 3)

        return 0

    lax.fori_loop(0, NSTEP // 2, step, 0)
    drain(xvA, scA)
    drain(xvB, scB)


def _dispatch(x, d0, d1):
    f = pl.kernel(
        _dispatch_body,
        out_type=jax.ShapeDtypeStruct((NROWS, IDIM), jnp.float32),
        mesh=_sc_mesh(),
        scratch_types=[
            pltpu.VMEM((CHUNK,), jnp.int32),
            pltpu.VMEM((CHUNK,), jnp.int32),
            pltpu.VMEM((SUB, IDIM), jnp.float32),
            pltpu.VMEM((SUB, IDIM), jnp.float32),
            pltpu.SemaphoreType.DMA,
            pltpu.SemaphoreType.DMA,
            pltpu.SemaphoreType.DMA,
            pltpu.SemaphoreType.DMA,
        ],
    )
    return f(x, d0, d1)


def _gmm_body(be_ref, nz_ref, xs_ref, w1_ref, w2_ref, out_ref):
    @pl.when(nz_ref[pl.program_id(0)] > 0)
    def _():
        xb = xs_ref[...].astype(jnp.bfloat16)
        h = lax.dot_general(xb, w1_ref[0], (((1,), (1,)), ((), ())),
                            preferred_element_type=jnp.float32)
        h = jnp.maximum(h.astype(jnp.bfloat16), 0)
        out_ref[...] = lax.dot_general(h, w2_ref[0], (((1,), (1,)), ((), ())),
                                       preferred_element_type=jnp.float32)


def _gmm(be, nz, xsorted, w1b, w2b):
    return pl.pallas_call(
        _gmm_body,
        grid_spec=pltpu.PrefetchScalarGridSpec(
            num_scalar_prefetch=2,
            grid=(NBLK,),
            in_specs=[
                pl.BlockSpec((BLK, IDIM), lambda b, be_ref, nz_ref: (b, 0)),
                pl.BlockSpec((1, HID, IDIM), lambda b, be_ref, nz_ref: (be_ref[b], 0, 0)),
                pl.BlockSpec((1, IDIM, HID), lambda b, be_ref, nz_ref: (be_ref[b], 0, 0)),
            ],
            out_specs=pl.BlockSpec((BLK, IDIM), lambda b, be_ref, nz_ref: (b, 0)),
        ),
        out_shape=jax.ShapeDtypeStruct((NROWS, IDIM), jnp.float32),
        compiler_params=pltpu.CompilerParams(
            dimension_semantics=("arbitrary",),
            vmem_limit_bytes=100 * 1024 * 1024,
            skip_device_barrier=True,
        ),
    )(be, nz, xsorted, w1b, w2b)


def _combine_body(ys_hbm, d0_hbm, d1_hbm, w0_hbm, w1_hbm, out_hbm,
                  i0all, i1all, w0all, w1all, y0A, y1A, y0B, y1B, ov, semA, semB):
    wid = lax.axis_index("s") * 2 + lax.axis_index("c")
    base = wid * CHUNK
    lane = lax.iota(jnp.int32, 16)
    pltpu.sync_copy(d0_hbm.at[pl.ds(base, CHUNK)], i0all)
    pltpu.sync_copy(d1_hbm.at[pl.ds(base, CHUNK)], i1all)
    pltpu.sync_copy(w0_hbm.at[pl.ds(base, CHUNK)], w0all)
    pltpu.sync_copy(w1_hbm.at[pl.ds(base, CHUNK)], w1all)

    def start(y0, y1, sem, s):
        iv0 = i0all[pl.ds(s * SUB, SUB)]
        iv1 = i1all[pl.ds(s * SUB, SUB)]
        pltpu.async_copy(ys_hbm.at[iv0], y0, sem)
        pltpu.async_copy(ys_hbm.at[iv1], y1, sem)

    def finish(y0, y1, sem, s):
        dummy = i0all[pl.ds(0, SUB)]
        pltpu.make_async_copy(ys_hbm.at[dummy], y0, sem).wait()
        pltpu.make_async_copy(ys_hbm.at[dummy], y1, sem).wait()
        wa = w0all[pl.ds(s * SUB, SUB)]
        wb = w1all[pl.ds(s * SUB, SUB)]

        def tok(t, _):
            a = jnp.broadcast_to(jnp.sum(jnp.where(lane == t, wa, 0.0)), (16,))
            b = jnp.broadcast_to(jnp.sum(jnp.where(lane == t, wb, 0.0)), (16,))

            def colgrp(g, _):
                for u in range(8):
                    sl = pl.ds(g * 128 + u * 16, 16)
                    ov[t, sl] = a * y0[t, sl] + b * y1[t, sl]
                return 0

            lax.fori_loop(0, IDIM // 128, colgrp, 0)
            return 0

        lax.fori_loop(0, SUB, tok, 0)
        pltpu.sync_copy(ov, out_hbm.at[pl.ds(base + s * SUB, SUB)])

    start(y0A, y1A, semA, 0)
    start(y0B, y1B, semB, 1)

    def step(j2, _):
        sA = 2 * j2
        finish(y0A, y1A, semA, sA)

        @pl.when(j2 < NSTEP // 2 - 1)
        def _():
            start(y0A, y1A, semA, sA + 2)

        finish(y0B, y1B, semB, sA + 1)

        @pl.when(j2 < NSTEP // 2 - 1)
        def _():
            start(y0B, y1B, semB, sA + 3)

        return 0

    lax.fori_loop(0, NSTEP // 2, step, 0)


def _combine(ysorted, d0, d1, wt0, wt1):
    f = pl.kernel(
        _combine_body,
        out_type=jax.ShapeDtypeStruct((T, IDIM), jnp.float32),
        mesh=_sc_mesh(),
        scratch_types=[
            pltpu.VMEM((CHUNK,), jnp.int32),
            pltpu.VMEM((CHUNK,), jnp.int32),
            pltpu.VMEM((CHUNK,), jnp.float32),
            pltpu.VMEM((CHUNK,), jnp.float32),
            pltpu.VMEM((SUB, IDIM), jnp.float32),
            pltpu.VMEM((SUB, IDIM), jnp.float32),
            pltpu.VMEM((SUB, IDIM), jnp.float32),
            pltpu.VMEM((SUB, IDIM), jnp.float32),
            pltpu.VMEM((SUB, IDIM), jnp.float32),
            pltpu.SemaphoreType.DMA,
            pltpu.SemaphoreType.DMA,
        ],
        compiler_params=pltpu.CompilerParams(
            needs_layout_passes=False, skip_device_barrier=True),
    )
    return f(ysorted, d0, d1, wt0, wt1)


def kernel(xs, gate_w, w1, w2):
    x = xs.reshape(-1, IDIM)
    d0, d1, wt0, wt1, be, nz = _route_meta(x, gate_w)
    xsorted = _dispatch(x, d0, d1)
    ysorted = _gmm(be, nz, xsorted, w1.astype(jnp.bfloat16), w2.astype(jnp.bfloat16))
    out = _combine(ysorted, d0, d1, wt0, wt1)
    return out.reshape(xs.shape)

# --- scband reference (transcript-rebuilt; emitter-appended) ---
"""Pipeline reference for scband-mo-effnlayer-23407571763646 (READ-ONLY COPY).

The authoritative reference and input builder live on the scoring server;
editing this copy changes nothing except your own understanding.
"""

import jax, jax.numpy as jnp
import numpy as np

IDIM = 1024
HID = 4096
NE = 8
TOPK = 2
B = 4
L = 2048


def setup_inputs(seed: int = 0) -> dict:
    key = jax.random.key(seed)
    ks = jax.random.split(key, 4)
    xs = jax.random.normal(ks[0], (B, L, IDIM), dtype=jnp.float32)
    gate_w = jax.random.normal(ks[1], (NE, IDIM), dtype=jnp.float32) * (1.0 / np.sqrt(IDIM))
    w1 = jax.random.normal(ks[2], (NE, HID, IDIM), dtype=jnp.float32) * (1.0 / np.sqrt(IDIM))
    w2 = jax.random.normal(ks[3], (NE, IDIM, HID), dtype=jnp.float32) * (1.0 / np.sqrt(HID))
    return {"xs": xs, "gate_w": gate_w, "w1": w1, "w2": w2}


def reference(xs, gate_w, w1, w2):
    Bx, Lx, D = xs.shape
    x = xs.reshape(-1, D)
    # router logits: gate = Linear(idim, n_expert, bias=False)
    router = x @ gate_w.T
    logits, selected_experts = jax.lax.top_k(router, TOPK)
    weights = jax.nn.softmax(logits.astype(jnp.float32), axis=1).astype(x.dtype)
    out = jnp.zeros_like(x)
    for i in range(NE):
        # per-token weight for expert i (0 if expert i not selected);
        # mathematically identical to the torch scatter-based accumulation
        w_i = jnp.sum(weights * (selected_experts == i).astype(weights.dtype), axis=1)
        # PositionwiseFeedForward: w_2(relu(w_1(x))) with bias=False, dropout off (eval)
        h = jnp.maximum(x @ w1[i].T, 0.0) @ w2[i].T
        out = out + w_i[:, None] * h
    return out.reshape(Bx, Lx, D)

if __name__ == "__main__":
    import jax
    _d = setup_inputs()
    print(jax.jit(kernel)(*tuple(_d.values())))

</pallas_src>

<mosaic_0001>
#map = affine_map<(d0, d1) -> (0, 0)>
#map1 = affine_map<(d0, d1) -> (0)>
module attributes {stable_mosaic.version = 14 : i64} {
  func.func @_dispatch_body(%arg0: i32, %arg1: i32, %arg2: memref<8192x1024xf32, #tpu.memory_space<hbm>>, %arg3: memref<8192xi32, #tpu.memory_space<hbm>>, %arg4: memref<8192xi32, #tpu.memory_space<hbm>>, %arg5: memref<18432x1024xf32, #tpu.memory_space<hbm>>, %arg6: memref<256xi32, #tpu.memory_space<vmem>>, %arg7: memref<256xi32, #tpu.memory_space<vmem>>, %arg8: memref<16x1024xf32, #tpu.memory_space<vmem>>, %arg9: memref<16x1024xf32, #tpu.memory_space<vmem>>, %arg10: memref<!tpu.dma_semaphore, #tpu.memory_space<semaphore_mem>>, %arg11: memref<!tpu.dma_semaphore, #tpu.memory_space<semaphore_mem>>, %arg12: memref<!tpu.dma_semaphore, #tpu.memory_space<semaphore_mem>>, %arg13: memref<!tpu.dma_semaphore, #tpu.memory_space<semaphore_mem>>) attributes {dimension_semantics = [#tpu.dimension_semantics<core_parallel>, #tpu.dimension_semantics<subcore_parallel>], iteration_bounds = array<i64: 2, 16>, scalar_prefetch = 0 : i64, scratch_operands = 8 : i64, tpu.core_type = #tpu.core_type<sc_vector_subcore>, window_params = [{transform_indices = #map}, {transform_indices = #map1}, {transform_indices = #map1}, {transform_indices = #map}]} {
    %mul3A = arith.constant 2 : i32
    %mul3A_0 = arith.muli %arg1, %mul3A : i32
    %add3A = arith.addi %mul3A_0, %arg0 : i32
    %mul3A_1 = arith.constant 256 : i32
    %mul3A_2 = arith.muli %add3A, %mul3A_1 : i32
    "tpu.region"() ({
      %run_scoped3A = tpu.sem_alloc : memref<!tpu.dma_semaphore, #tpu.memory_space<semaphore_mem>>
      %dma_start3A_42 = tpu.memref_slice %arg3[%mul3A_2] : memref<8192xi32, #tpu.memory_space<hbm>> -> memref<256xi32, #tpu.memory_space<hbm>>
      %dma_start3A_43 = tpu.memref_slice %arg3[%mul3A_2] : memref<8192xi32, #tpu.memory_space<hbm>> -> memref<256xi32, #tpu.memory_space<hbm>>
      tpu.enqueue_dma source(%dma_start3A_43 : memref<256xi32, #tpu.memory_space<hbm>>) target(%arg6 : memref<256xi32, #tpu.memory_space<vmem>>) target_semaphore(%run_scoped3A : memref<!tpu.dma_semaphore, #tpu.memory_space<semaphore_mem>>)
      %dma_wait3A_44 = tpu.memref_slice %arg3[%mul3A_2] : memref<8192xi32, #tpu.memory_space<hbm>> -> memref<256xi32, #tpu.memory_space<hbm>>
      %dma_wait3A_45 = tpu.memref_slice %arg3[%mul3A_2] : memref<8192xi32, #tpu.memory_space<hbm>> -> memref<256xi32, #tpu.memory_space<hbm>>
      tpu.wait_dma2 semaphore(%run_scoped3A : memref<!tpu.dma_semaphore, #tpu.memory_space<semaphore_mem>>) src(%dma_wait3A_45 : memref<256xi32, #tpu.memory_space<hbm>>) dst(%arg6 : memref<256xi32, #tpu.memory_space<vmem>>)
      tpu.yield
    }) : () -> ()
    "tpu.region"() ({
      %run_scoped3A = tpu.sem_alloc : memref<!tpu.dma_semaphore, #tpu.memory_space<semaphore_mem>>
      %dma_start3A_42 = tpu.memref_slice %arg4[%mul3A_2] : memref<8192xi32, #tpu.memory_space<hbm>> -> memref<256xi32, #tpu.memory_space<hbm>>
      %dma_start3A_43 = tpu.memref_slice %arg4[%mul3A_2] : memref<8192xi32, #tpu.memory_space<hbm>> -> memref<256xi32, #tpu.memory_space<hbm>>
      tpu.enqueue_dma source(%dma_start3A_43 : memref<256xi32, #tpu.memory_space<hbm>>) target(%arg7 : memref<256xi32, #tpu.memory_space<vmem>>) target_semaphore(%run_scoped3A : memref<!tpu.dma_semaphore, #tpu.memory_space<semaphore_mem>>)
      %dma_wait3A_44 = tpu.memref_slice %arg4[%mul3A_2] : memref<8192xi32, #tpu.memory_space<hbm>> -> memref<256xi32, #tpu.memory_space<hbm>>
      %dma_wait3A_45 = tpu.memref_slice %arg4[%mul3A_2] : memref<8192xi32, #tpu.memory_space<hbm>> -> memref<256xi32, #tpu.memory_space<hbm>>
      tpu.wait_dma2 semaphore(%run_scoped3A : memref<!tpu.dma_semaphore, #tpu.memory_space<semaphore_mem>>) src(%dma_wait3A_45 : memref<256xi32, #tpu.memory_space<hbm>>) dst(%arg7 : memref<256xi32, #tpu.memory_space<vmem>>)
      tpu.yield
    }) : () -> ()
    %add3A_3 = arith.constant 0 : i32
    %add3A_4 = arith.addi %mul3A_2, %add3A_3 : i32
    %dma_start3A = arith.constant 0 : i32
    %dma_start3A_5 = tpu.memref_slice %arg2[%add3A_4, %dma_start3A] : memref<8192x1024xf32, #tpu.memory_space<hbm>> -> memref<16x1024xf32, #tpu.memory_space<hbm>>
    %dma_start3A_6 = arith.constant 0 : i32
    %dma_start3A_7 = tpu.memref_slice %arg2[%add3A_4, %dma_start3A_6] : memref<8192x1024xf32, #tpu.memory_space<hbm>> -> memref<16x1024xf32, #tpu.memory_space<hbm>>
    tpu.enqueue_dma source(%dma_start3A_7 : memref<16x1024xf32, #tpu.memory_space<hbm>>) target(%arg8 : memref<16x1024xf32, #tpu.memory_space<vmem>>) target_semaphore(%arg10 : memref<!tpu.dma_semaphore, #tpu.memory_space<semaphore_mem>>)
    %add3A_8 = arith.constant 16 : i32
    %add3A_9 = arith.addi %mul3A_2, %add3A_8 : i32
    %dma_start3A_10 = arith.constant 0 : i32
    %dma_start3A_11 = tpu.memref_slice %arg2[%add3A_9, %dma_start3A_10] : memref<8192x1024xf32, #tpu.memory_space<hbm>> -> memref<16x1024xf32, #tpu.memory_space<hbm>>
    %dma_start3A_12 = arith.constant 0 : i32
    %dma_start3A_13 = tpu.memref_slice %arg2[%add3A_9, %dma_start3A_12] : memref<8192x1024xf32, #tpu.memory_space<hbm>> -> memref<16x1024xf32, #tpu.memory_space<hbm>>
    tpu.enqueue_dma source(%dma_start3A_13 : memref<16x1024xf32, #tpu.memory_space<hbm>>) target(%arg9 : memref<16x1024xf32, #tpu.memory_space<vmem>>) target_semaphore(%arg11 : memref<!tpu.dma_semaphore, #tpu.memory_space<semaphore_mem>>)
    %scan3A = arith.constant 0 : i32
    %scan3A_14 = arith.constant 0 : i32
    %scan3A_15 = arith.constant 8 : i32
    %scan3A_16 = arith.addi %scan3A_14, %scan3A_15 : i32
    %scan3A_17 = arith.constant 1 : i32
    %scan3A_18 = scf.for %scan3A_42 = %scan3A_14 to %scan3A_16 step %scan3A_17 iter_args(%scan3A_43 = %scan3A) -> (i32)  : i32 {
      %mul3A_44 = arith.constant 2 : i32
      %mul3A_45 = arith.muli %mul3A_44, %scan3A_42 : i32
      %dma_wait3A_46 = arith.constant 0 : i32
      %dma_wait3A_47 = tpu.memref_slice %arg2[%mul3A_2, %dma_wait3A_46] : memref<8192x1024xf32, #tpu.memory_space<hbm>> -> memref<16x1024xf32, #tpu.memory_space<hbm>>
      %dma_wait3A_48 = arith.constant 0 : i32
      %dma_wait3A_49 = tpu.memref_slice %arg2[%mul3A_2, %dma_wait3A_48] : memref<8192x1024xf32, #tpu.memory_space<hbm>> -> memref<16x1024xf32, #tpu.memory_space<hbm>>
      tpu.wait_dma2 semaphore(%arg10 : memref<!tpu.dma_semaphore, #tpu.memory_space<semaphore_mem>>) src(%dma_wait3A_49 : memref<16x1024xf32, #tpu.memory_space<hbm>>) dst(%arg8 : memref<16x1024xf32, #tpu.memory_space<vmem>>)
      %mul3A_50 = arith.constant 16 : i32
      %mul3A_51 = arith.muli %mul3A_45, %mul3A_50 : i32
      %get3A_52 = arith.index_cast %mul3A_51 : i32 to index
      %get3A_53 = tpu.vector_load %arg6[%get3A_52] {strides = array<i32>} : memref<256xi32, #tpu.memory_space<vmem>>, vector<16xi32>,
      %get3A_54 = vector.shape_cast %get3A_53 : vector<16xi32> to vector<16xi32>
      %mul3A_55 = arith.constant 16 : i32
      %mul3A_56 = arith.muli %mul3A_45, %mul3A_55 : i32
      %get3A_57 = arith.index_cast %mul3A_56 : i32 to index
      %get3A_58 = tpu.vector_load %arg7[%get3A_57] {strides = array<i32>} : memref<256xi32, #tpu.memory_space<vmem>>, vector<16xi32>,
      %get3A_59 = vector.shape_cast %get3A_58 : vector<16xi32> to vector<16xi32>
      %dma_start3A_60 = arith.constant 0 : i32
      %dma_start3A_61 = arith.constant 0 : i32
      %dma_start3A_62 = tpu.memref_slice %arg5[%dma_start3A_60, %dma_start3A_61] : memref<18432x1024xf32, #tpu.memory_space<hbm>> -> memref<18432x1024xf32, #tpu.memory_space<hbm>>
      tpu.enqueue_indirect_dma source(%arg8 : memref<16x1024xf32, #tpu.memory_space<vmem>>) target(%dma_start3A_62 : memref<18432x1024xf32, #tpu.memory_space<hbm>>) offsets(%get3A_54 : vector<16xi32>) semaphore(%arg12 : memref<!tpu.dma_semaphore, #tpu.memory_space<semaphore_mem>>)
      %dma_start3A_63 = arith.constant 0 : i32
      %dma_start3A_64 = arith.constant 0 : i32
      %dma_start3A_65 = tpu.memref_slice %arg5[%dma_start3A_63, %dma_start3A_64] : memref<18432x1024xf32, #tpu.memory_space<hbm>> -> memref<18432x1024xf32, #tpu.memory_space<hbm>>
      tpu.enqueue_indirect_dma source(%arg8 : memref<16x1024xf32, #tpu.memory_space<vmem>>) target(%dma_start3A_65 : memref<18432x1024xf32, #tpu.memory_space<hbm>>) offsets(%get3A_59 : vector<16xi32>) semaphore(%arg12 : memref<!tpu.dma_semaphore, #tpu.memory_space<semaphore_mem>>)
      %lt3A = arith.constant 7 : i32
      %lt3A_66 = arith.cmpi slt, %scan3A_42, %lt3A : i32
      %convert_element_type3A = arith.extui %lt3A_66 : i1 to i32
      %cond3A = arith.constant 0 : i32
      %cond3A_67 = arith.cmpi ne, %convert_element_type3A, %cond3A : i32
      scf.if %cond3A_67 {
        %get3A_96 = arith.constant 0 : index
        %get3A_97 = tpu.vector_load %arg6[%get3A_96] {strides = array<i32>} : memref<256xi32, #tpu.memory_space<vmem>>, vector<16xi32>,
        %get3A_98 = vector.shape_cast %get3A_97 : vector<16xi32> to vector<16xi32>
        %dma_wait3A_99 = arith.constant 0 : i32
        %dma_wait3A_100 = arith.constant 0 : i32
        %dma_wait3A_101 = tpu.memref_slice %arg5[%dma_wait3A_99, %dma_wait3A_100] : memref<18432x1024xf32, #tpu.memory_space<hbm>> -> memref<18432x1024xf32, #tpu.memory_space<hbm>>
        tpu.wait_indirect_dma semaphore(%arg12 : memref<!tpu.dma_semaphore, #tpu.memory_space<semaphore_mem>>) src(%arg8 : memref<16x1024xf32, #tpu.memory_space<vmem>>) dst(%dma_wait3A_101 : memref<18432x1024xf32, #tpu.memory_space<hbm>>)
        %get3A_102 = arith.constant 0 : index
        %get3A_103 = tpu.vector_load %arg6[%get3A_102] {strides = array<i32>} : memref<256xi32, #tpu.memory_space<vmem>>, vector<16xi32>,
        %get3A_104 = vector.shape_cast %get3A_103 : vector<16xi32> to vector<16xi32>
        %dma_wait3A_105 = arith.constant 0 : i32
        %dma_wait3A_106 = arith.constant 0 : i32
        %dma_wait3A_107 = tpu.memref_slice %arg5[%dma_wait3A_105, %dma_wait3A_106] : memref<18432x1024xf32, #tpu.memory_space<hbm>> -> memref<18432x1024xf32, #tpu.memory_space<hbm>>
        tpu.wait_indirect_dma semaphore(%arg12 : memref<!tpu.dma_semaphore, #tpu.memory_space<semaphore_mem>>) src(%arg8 : memref<16x1024xf32, #tpu.memory_space<vmem>>) dst(%dma_wait3A_107 : memref<18432x1024xf32, #tpu.memory_space<hbm>>)
        %add3A_108 = arith.constant 2 : i32
        %add3A_109 = arith.addi %mul3A_45, %add3A_108 : i32
        %mul3A_110 = arith.constant 16 : i32
        %mul3A_111 = arith.muli %add3A_109, %mul3A_110 : i32
        %add3A_112 = arith.addi %mul3A_2, %mul3A_111 : i32
        %dma_start3A_113 = arith.constant 0 : i32
        %dma_start3A_114 = tpu.memref_slice %arg2[%add3A_112, %dma_start3A_113] : memref<8192x1024xf32, #tpu.memory_space<hbm>> -> memref<16x1024xf32, #tpu.memory_space<hbm>>
        %dma_start3A_115 = arith.constant 0 : i32
        %dma_start3A_116 = tpu.memref_slice %arg2[%add3A_112, %dma_start3A_115] : memref<8192x1024xf32, #tpu.memory_space<hbm>> -> memref<16x1024xf32, #tpu.memory_space<hbm>>
        tpu.enqueue_dma source(%dma_start3A_116 : memref<16x1024xf32, #tpu.memory_space<hbm>>) target(%arg8 : memref<16x1024xf32, #tpu.memory_space<vmem>>) target_semaphore(%arg10 : memref<!tpu.dma_semaphore, #tpu.memory_space<semaphore_mem>>)
      } else {
      }
      %add3A_68 = arith.constant 1 : i32
      %add3A_69 = arith.addi %mul3A_45, %add3A_68 : i32
      %dma_wait3A_70 = arith.constant 0 : i32
      %dma_wait3A_71 = tpu.memref_slice %arg2[%mul3A_2, %dma_wait3A_70] : memref<8192x1024xf32, #tpu.memory_space<hbm>> -> memref<16x1024xf32, #tpu.memory_space<hbm>>
      %dma_wait3A_72 = arith.constant 0 : i32
      %dma_wait3A_73 = tpu.memref_slice %arg2[%mul3A_2, %dma_wait3A_72] : memref<8192x1024xf32, #tpu.memory_space<hbm>> -> memref<16x1024xf32, #tpu.memory_space<hbm>>
      tpu.wait_dma2 semaphore(%arg11 : memref<!tpu.dma_semaphore, #tpu.memory_space<semaphore_mem>>) src(%dma_wait3A_73 : memref<16x1024xf32, #tpu.memory_space<hbm>>) dst(%arg9 : memref<16x1024xf32, #tpu.memory_space<vmem>>)
      %mul3A_74 = arith.constant 16 : i32
      %mul3A_75 = arith.muli %add3A_69, %mul3A_74 : i32
      %get3A_76 = arith.index_cast %mul3A_75 : i32 to index
      %get3A_77 = tpu.vector_load %arg6[%get3A_76] {strides = array<i32>} : memref<256xi32, #tpu.memory_space<vmem>>, vector<16xi32>,
      %get3A_78 = vector.shape_cast %get3A_77 : vector<16xi32> to vector<16xi32>
      %mul3A_79 = arith.constant 16 : i32
      %mul3A_80 = arith.muli %add3A_69, %mul3A_79 : i32
      %get3A_81 = arith.index_cast %mul3A_80 : i32 to index
      %get3A_82 = tpu.vector_load %arg7[%get3A_81] {strides = array<i32>} : memref<256xi32, #tpu.memory_space<vmem>>, vector<16xi32>,
      %get3A_83 = vector.shape_cast %get3A_82 : vector<16xi32> to vector<16xi32>
      %dma_start3A_84 = arith.constant 0 : i32
      %dma_start3A_85 = arith.constant 0 : i32
      %dma_start3A_86 = tpu.memref_slice %arg5[%dma_start3A_84, %dma_start3A_85] : memref<18432x1024xf32, #tpu.memory_space<hbm>> -> memref<18432x1024xf32, #tpu.memory_space<hbm>>
      tpu.enqueue_indirect_dma source(%arg9 : memref<16x1024xf32, #tpu.memory_space<vmem>>) target(%dma_start3A_86 : memref<18432x1024xf32, #tpu.memory_space<hbm>>) offsets(%get3A_78 : vector<16xi32>) semaphore(%arg13 : memref<!tpu.dma_semaphore, #tpu.memory_space<semaphore_mem>>)
      %dma_start3A_87 = arith.constant 0 : i32
      %dma_start3A_88 = arith.constant 0 : i32
      %dma_start3A_89 = tpu.memref_slice %arg5[%dma_start3A_87, %dma_start3A_88] : memref<18432x1024xf32, #tpu.memory_space<hbm>> -> memref<18432x1024xf32, #tpu.memory_space<hbm>>
      tpu.enqueue_indirect_dma source(%arg9 : memref<16x1024xf32, #tpu.memory_space<vmem>>) target(%dma_start3A_89 : memref<18432x1024xf32, #tpu.memory_space<hbm>>) offsets(%get3A_83 : vector<16xi32>) semaphore(%arg13 : memref<!tpu.dma_semaphore, #tpu.memory_space<semaphore_mem>>)
      %lt3A_90 = arith.constant 7 : i32
      %lt3A_91 = arith.cmpi slt, %scan3A_42, %lt3A_90 : i32
      %convert_element_type3A_92 = arith.extui %lt3A_91 : i1 to i32
      %cond3A_93 = arith.constant 0 : i32
      %cond3A_94 = arith.cmpi ne, %convert_element_type3A_92, %cond3A_93 : i32
      scf.if %cond3A_94 {
        %get3A_96 = arith.constant 0 : index
        %get3A_97 = tpu.vector_load %arg6[%get3A_96] {strides = array<i32>} : memref<256xi32, #tpu.memory_space<vmem>>, vector<16xi32>,
        %get3A_98 = vector.shape_cast %get3A_97 : vector<16xi32> to vector<16xi32>
        %dma_wait3A_99 = arith.constant 0 : i32
        %dma_wait3A_100 = arith.constant 0 : i32
        %dma_wait3A_101 = tpu.memref_slice %arg5[%dma_wait3A_99, %dma_wait3A_100] : memref<18432x1024xf32, #tpu.memory_space<hbm>> -> memref<18432x1024xf32, #tpu.memory_space<hbm>>
        tpu.wait_indirect_dma semaphore(%arg13 : memref<!tpu.dma_semaphore, #tpu.memory_space<semaphore_mem>>) src(%arg9 : memref<16x1024xf32, #tpu.memory_space<vmem>>) dst(%dma_wait3A_101 : memref<18432x1024xf32, #tpu.memory_space<hbm>>)
        %get3A_102 = arith.constant 0 : index
        %get3A_103 = tpu.vector_load %arg6[%get3A_102] {strides = array<i32>} : memref<256xi32, #tpu.memory_space<vmem>>, vector<16xi32>,
        %get3A_104 = vector.shape_cast %get3A_103 : vector<16xi32> to vector<16xi32>
        %dma_wait3A_105 = arith.constant 0 : i32
        %dma_wait3A_106 = arith.constant 0 : i32
        %dma_wait3A_107 = tpu.memref_slice %arg5[%dma_wait3A_105, %dma_wait3A_106] : memref<18432x1024xf32, #tpu.memory_space<hbm>> -> memref<18432x1024xf32, #tpu.memory_space<hbm>>
        tpu.wait_indirect_dma semaphore(%arg13 : memref<!tpu.dma_semaphore, #tpu.memory_space<semaphore_mem>>) src(%arg9 : memref<16x1024xf32, #tpu.memory_space<vmem>>) dst(%dma_wait3A_107 : memref<18432x1024xf32, #tpu.memory_space<hbm>>)
        %add3A_108 = arith.constant 3 : i32
        %add3A_109 = arith.addi %mul3A_45, %add3A_108 : i32
        %mul3A_110 = arith.constant 16 : i32
        %mul3A_111 = arith.muli %add3A_109, %mul3A_110 : i32
        %add3A_112 = arith.addi %mul3A_2, %mul3A_111 : i32
        %dma_start3A_113 = arith.constant 0 : i32
        %dma_start3A_114 = tpu.memref_slice %arg2[%add3A_112, %dma_start3A_113] : memref<8192x1024xf32, #tpu.memory_space<hbm>> -> memref<16x1024xf32, #tpu.memory_space<hbm>>
        %dma_start3A_115 = arith.constant 0 : i32
        %dma_start3A_116 = tpu.memref_slice %arg2[%add3A_112, %dma_start3A_115] : memref<8192x1024xf32, #tpu.memory_space<hbm>> -> memref<16x1024xf32, #tpu.memory_space<hbm>>
        tpu.enqueue_dma source(%dma_start3A_116 : memref<16x1024xf32, #tpu.memory_space<hbm>>) target(%arg9 : memref<16x1024xf32, #tpu.memory_space<vmem>>) target_semaphore(%arg11 : memref<!tpu.dma_semaphore, #tpu.memory_space<semaphore_mem>>)
      } else {
      }
      %scan3A_95 = arith.constant 0 : i32
      scf.yield %scan3A_95 : i32
    }
    %scan3A_19 = arith.constant 8 : i32
    %get3A = arith.constant 0 : index
    %get3A_20 = tpu.vector_load %arg6[%get3A] {strides = array<i32>} : memref<256xi32, #tpu.memory_space<vmem>>, vector<16xi32>,
    %get3A_21 = vector.shape_cast %get3A_20 : vector<16xi32> to vector<16xi32>
    %dma_wait3A = arith.constant 0 : i32
    %dma_wait3A_22 = arith.constant 0 : i32
    %dma_wait3A_23 = tpu.memref_slice %arg5[%dma_wait3A, %dma_wait3A_22] : memref<18432x1024xf32, #tpu.memory_space<hbm>> -> memref<18432x1024xf32, #tpu.memory_space<hbm>>
    tpu.wait_indirect_dma semaphore(%arg12 : memref<!tpu.dma_semaphore, #tpu.memory_space<semaphore_mem>>) src(%arg8 : memref<16x1024xf32, #tpu.memory_space<vmem>>) dst(%dma_wait3A_23 : memref<18432x1024xf32, #tpu.memory_space<hbm>>)
    %get3A_24 = arith.constant 0 : index
    %get3A_25 = tpu.vector_load %arg6[%get3A_24] {strides = array<i32>} : memref<256xi32, #tpu.memory_space<vmem>>, vector<16xi32>,
    %get3A_26 = vector.shape_cast %get3A_25 : vector<16xi32> to vector<16xi32>
    %dma_wait3A_27 = arith.constant 0 : i32
    %dma_wait3A_28 = arith.constant 0 : i32
    %dma_wait3A_29 = tpu.memref_slice %arg5[%dma_wait3A_27, %dma_wait3A_28] : memref<18432x1024xf32, #tpu.memory_space<hbm>> -> memref<18432x1024xf32, #tpu.memory_space<hbm>>
    tpu.wait_indirect_dma semaphore(%arg12 : memref<!tpu.dma_semaphore, #tpu.memory_space<semaphore_mem>>) src(%arg8 : memref<16x1024xf32, #tpu.memory_space<vmem>>) dst(%dma_wait3A_29 : memref<18432x1024xf32, #tpu.memory_space<hbm>>)
    %get3A_30 = arith.constant 0 : index
    %get3A_31 = tpu.vector_load %arg6[%get3A_30] {strides = array<i32>} : memref<256xi32, #tpu.memory_space<vmem>>, vector<16xi32>,
    %get3A_32 = vector.shape_cast %get3A_31 : vector<16xi32> to vector<16xi32>
    %dma_wait3A_33 = arith.constant 0 : i32
    %dma_wait3A_34 = arith.constant 0 : i32
    %dma_wait3A_35 = tpu.memref_slice %arg5[%dma_wait3A_33, %dma_wait3A_34] : memref<18432x1024xf32, #tpu.memory_space<hbm>> -> memref<18432x1024xf32, #tpu.memory_space<hbm>>
    tpu.wait_indirect_dma semaphore(%arg13 : memref<!tpu.dma_semaphore, #tpu.memory_space<semaphore_mem>>) src(%arg9 : memref<16x1024xf32, #tpu.memory_space<vmem>>) dst(%dma_wait3A_35 : memref<18432x1024xf32, #tpu.memory_space<hbm>>)
    %get3A_36 = arith.constant 0 : index
    %get3A_37 = tpu.vector_load %arg6[%get3A_36] {strides = array<i32>} : memref<256xi32, #tpu.memory_space<vmem>>, vector<16xi32>,
    %get3A_38 = vector.shape_cast %get3A_37 : vector<16xi32> to vector<16xi32>
    %dma_wait3A_39 = arith.constant 0 : i32
    %dma_wait3A_40 = arith.constant 0 : i32
    %dma_wait3A_41 = tpu.memref_slice %arg5[%dma_wait3A_39, %dma_wait3A_40] : memref<18432x1024xf32, #tpu.memory_space<hbm>> -> memref<18432x1024xf32, #tpu.memory_space<hbm>>
    tpu.wait_indirect_dma semaphore(%arg13 : memref<!tpu.dma_semaphore, #tpu.memory_space<semaphore_mem>>) src(%arg9 : memref<16x1024xf32, #tpu.memory_space<vmem>>) dst(%dma_wait3A_41 : memref<18432x1024xf32, #tpu.memory_space<hbm>>)
    return
  }
}

#map = affine_map<(d0, d1) -> (0, 0)>
#map1 = affine_map<(d0, d1) -> (0)>
module attributes {stable_mosaic.version = 14 : i64} {
  func.func @_combine_body(%arg0: i32, %arg1: i32, %arg2: memref<18432x1024xf32, #tpu.memory_space<hbm>>, %arg3: memref<8192xi32, #tpu.memory_space<hbm>>, %arg4: memref<8192xi32, #tpu.memory_space<hbm>>, %arg5: memref<8192xf32, #tpu.memory_space<hbm>>, %arg6: memref<8192xf32, #tpu.memory_space<hbm>>, %arg7: memref<8192x1024xf32, #tpu.memory_space<hbm>>, %arg8: memref<256xi32, #tpu.memory_space<vmem>>, %arg9: memref<256xi32, #tpu.memory_space<vmem>>, %arg10: memref<256xf32, #tpu.memory_space<vmem>>, %arg11: memref<256xf32, #tpu.memory_space<vmem>>, %arg12: memref<16x1024xf32, #tpu.memory_space<vmem>>, %arg13: memref<16x1024xf32, #tpu.memory_space<vmem>>, %arg14: memref<16x1024xf32, #tpu.memory_space<vmem>>, %arg15: memref<16x1024xf32, #tpu.memory_space<vmem>>, %arg16: memref<16x1024xf32, #tpu.memory_space<vmem>>, %arg17: memref<!tpu.dma_semaphore, #tpu.memory_space<semaphore_mem>>, %arg18: memref<!tpu.dma_semaphore, #tpu.memory_space<semaphore_mem>>) attributes {dimension_semantics = [#tpu.dimension_semantics<core_parallel>, #tpu.dimension_semantics<subcore_parallel>], iteration_bounds = array<i64: 2, 16>, scalar_prefetch = 0 : i64, scratch_operands = 11 : i64, tpu.core_type = #tpu.core_type<sc_vector_subcore>, window_params = [{transform_indices = #map}, {transform_indices = #map1}, {transform_indices = #map1}, {transform_indices = #map1}, {transform_indices = #map1}, {transform_indices = #map}]} {
    %mul3A = arith.constant 2 : i32
    %mul3A_0 = arith.muli %arg1, %mul3A : i32
    %add3A = arith.addi %mul3A_0, %arg0 : i32
    %mul3A_1 = arith.constant 256 : i32
    %mul3A_2 = arith.muli %add3A, %mul3A_1 : i32
    %iota3A = tpu.iota {dimensions = array<i32: 0>} : vector<16xi32>
    "tpu.region"() ({
      %run_scoped3A = tpu.sem_alloc : memref<!tpu.dma_semaphore, #tpu.memory_space<semaphore_mem>>
      %dma_start3A_29 = tpu.memref_slice %arg3[%mul3A_2] : memref<8192xi32, #tpu.memory_space<hbm>> -> memref<256xi32, #tpu.memory_space<hbm>>
      %dma_start3A_30 = tpu.memref_slice %arg3[%mul3A_2] : memref<8192xi32, #tpu.memory_space<hbm>> -> memref<256xi32, #tpu.memory_space<hbm>>
      tpu.enqueue_dma source(%dma_start3A_30 : memref<256xi32, #tpu.memory_space<hbm>>) target(%arg8 : memref<256xi32, #tpu.memory_space<vmem>>) target_semaphore(%run_scoped3A : memref<!tpu.dma_semaphore, #tpu.memory_space<semaphore_mem>>)
      %dma_wait3A = tpu.memref_slice %arg3[%mul3A_2] : memref<8192xi32, #tpu.memory_space<hbm>> -> memref<256xi32, #tpu.memory_space<hbm>>
      %dma_wait3A_31 = tpu.memref_slice %arg3[%mul3A_2] : memref<8192xi32, #tpu.memory_space<hbm>> -> memref<256xi32, #tpu.memory_space<hbm>>
      tpu.wait_dma2 semaphore(%run_scoped3A : memref<!tpu.dma_semaphore, #tpu.memory_space<semaphore_mem>>) src(%dma_wait3A_31 : memref<256xi32, #tpu.memory_space<hbm>>) dst(%arg8 : memref<256xi32, #tpu.memory_space<vmem>>)
      tpu.yield
    }) : () -> ()
    "tpu.region"() ({
      %run_scoped3A = tpu.sem_alloc : memref<!tpu.dma_semaphore, #tpu.memory_space<semaphore_mem>>
      %dma_start3A_29 = tpu.memref_slice %arg4[%mul3A_2] : memref<8192xi32, #tpu.memory_space<hbm>> -> memref<256xi32, #tpu.memory_space<hbm>>
      %dma_start3A_30 = tpu.memref_slice %arg4[%mul3A_2] : memref<8192xi32, #tpu.memory_space<hbm>> -> memref<256xi32, #tpu.memory_space<hbm>>
      tpu.enqueue_dma source(%dma_start3A_30 : memref<256xi32, #tpu.memory_space<hbm>>) target(%arg9 : memref<256xi32, #tpu.memory_space<vmem>>) target_semaphore(%run_scoped3A : memref<!tpu.dma_semaphore, #tpu.memory_space<semaphore_mem>>)
      %dma_wait3A = tpu.memref_slice %arg4[%mul3A_2] : memref<8192xi32, #tpu.memory_space<hbm>> -> memref<256xi32, #tpu.memory_space<hbm>>
      %dma_wait3A_31 = tpu.memref_slice %arg4[%mul3A_2] : memref<8192xi32, #tpu.memory_space<hbm>> -> memref<256xi32, #tpu.memory_space<hbm>>
      tpu.wait_dma2 semaphore(%run_scoped3A : memref<!tpu.dma_semaphore, #tpu.memory_space<semaphore_mem>>) src(%dma_wait3A_31 : memref<256xi32, #tpu.memory_space<hbm>>) dst(%arg9 : memref<256xi32, #tpu.memory_space<vmem>>)
      tpu.yield
    }) : () -> ()
    "tpu.region"() ({
      %run_scoped3A = tpu.sem_alloc : memref<!tpu.dma_semaphore, #tpu.memory_space<semaphore_mem>>
      %dma_start3A_29 = tpu.memref_slice %arg5[%mul3A_2] : memref<8192xf32, #tpu.memory_space<hbm>> -> memref<256xf32, #tpu.memory_space<hbm>>
      %dma_start3A_30 = tpu.memref_slice %arg5[%mul3A_2] : memref<8192xf32, #tpu.memory_space<hbm>> -> memref<256xf32, #tpu.memory_space<hbm>>
      tpu.enqueue_dma source(%dma_start3A_30 : memref<256xf32, #tpu.memory_space<hbm>>) target(%arg10 : memref<256xf32, #tpu.memory_space<vmem>>) target_semaphore(%run_scoped3A : memref<!tpu.dma_semaphore, #tpu.memory_space<semaphore_mem>>)
      %dma_wait3A = tpu.memref_slice %arg5[%mul3A_2] : memref<8192xf32, #tpu.memory_space<hbm>> -> memref<256xf32, #tpu.memory_space<hbm>>
      %dma_wait3A_31 = tpu.memref_slice %arg5[%mul3A_2] : memref<8192xf32, #tpu.memory_space<hbm>> -> memref<256xf32, #tpu.memory_space<hbm>>
      tpu.wait_dma2 semaphore(%run_scoped3A : memref<!tpu.dma_semaphore, #tpu.memory_space<semaphore_mem>>) src(%dma_wait3A_31 : memref<256xf32, #tpu.memory_space<hbm>>) dst(%arg10 : memref<256xf32, #tpu.memory_space<vmem>>)
      tpu.yield
    }) : () -> ()
    "tpu.region"() ({
      %run_scoped3A = tpu.sem_alloc : memref<!tpu.dma_semaphore, #tpu.memory_space<semaphore_mem>>
      %dma_start3A_29 = tpu.memref_slice %arg6[%mul3A_2] : memref<8192xf32, #tpu.memory_space<hbm>> -> memref<256xf32, #tpu.memory_space<hbm>>
      %dma_start3A_30 = tpu.memref_slice %arg6[%mul3A_2] : memref<8192xf32, #tpu.memory_space<hbm>> -> memref<256xf32, #tpu.memory_space<hbm>>
      tpu.enqueue_dma source(%dma_start3A_30 : memref<256xf32, #tpu.memory_space<hbm>>) target(%arg11 : memref<256xf32, #tpu.memory_space<vmem>>) target_semaphore(%run_scoped3A : memref<!tpu.dma_semaphore, #tpu.memory_space<semaphore_mem>>)
      %dma_wait3A = tpu.memref_slice %arg6[%mul3A_2] : memref<8192xf32, #tpu.memory_space<hbm>> -> memref<256xf32, #tpu.memory_space<hbm>>
      %dma_wait3A_31 = tpu.memref_slice %arg6[%mul3A_2] : memref<8192xf32, #tpu.memory_space<hbm>> -> memref<256xf32, #tpu.memory_space<hbm>>
      tpu.wait_dma2 semaphore(%run_scoped3A : memref<!tpu.dma_semaphore, #tpu.memory_space<semaphore_mem>>) src(%dma_wait3A_31 : memref<256xf32, #tpu.memory_space<hbm>>) dst(%arg11 : memref<256xf32, #tpu.memory_space<vmem>>)
      tpu.yield
    }) : () -> ()
    %get3A = arith.constant 0 : index
    %get3A_3 = tpu.vector_load %arg8[%get3A] {strides = array<i32>} : memref<256xi32, #tpu.memory_space<vmem>>, vector<16xi32>,
    %get3A_4 = vector.shape_cast %get3A_3 : vector<16xi32> to vector<16xi32>
    %get3A_5 = arith.constant 0 : index
    %get3A_6 = tpu.vector_load %arg9[%get3A_5] {strides = array<i32>} : memref<256xi32, #tpu.memory_space<vmem>>, vector<16xi32>,
    %get3A_7 = vector.shape_cast %get3A_6 : vector<16xi32> to vector<16xi32>
    %dma_start3A = arith.constant 0 : i32
    %dma_start3A_8 = arith.constant 0 : i32
    %dma_start3A_9 = tpu.memref_slice %arg2[%dma_start3A, %dma_start3A_8] : memref<18432x1024xf32, #tpu.memory_space<hbm>> -> memref<18432x1024xf32, #tpu.memory_space<hbm>>
    tpu.enqueue_indirect_dma source(%dma_start3A_9 : memref<18432x1024xf32, #tpu.memory_space<hbm>>) target(%arg12 : memref<16x1024xf32, #tpu.memory_space<vmem>>) offsets(%get3A_4 : vector<16xi32>) semaphore(%arg17 : memref<!tpu.dma_semaphore, #tpu.memory_space<semaphore_mem>>)
    %dma_start3A_10 = arith.constant 0 : i32
    %dma_start3A_11 = arith.constant 0 : i32
    %dma_start3A_12 = tpu.memref_slice %arg2[%dma_start3A_10, %dma_start3A_11] : memref<18432x1024xf32, #tpu.memory_space<hbm>> -> memref<18432x1024xf32, #tpu.memory_space<hbm>>
    tpu.enqueue_indirect_dma source(%dma_start3A_12 : memref<18432x1024xf32, #tpu.memory_space<hbm>>) target(%arg13 : memref<16x1024xf32, #tpu.memory_space<vmem>>) offsets(%get3A_7 : vector<16xi32>) semaphore(%arg17 : memref<!tpu.dma_semaphore, #tpu.memory_space<semaphore_mem>>)
    %get3A_13 = arith.constant 16 : index
    %get3A_14 = tpu.vector_load %arg8[%get3A_13] {strides = array<i32>} : memref<256xi32, #tpu.memory_space<vmem>>, vector<16xi32>,
    %get3A_15 = arith.constant 16 : index
    %get3A_16 = tpu.vector_load %arg9[%get3A_15] {strides = array<i32>} : memref<256xi32, #tpu.memory_space<vmem>>, vector<16xi32>,
    %dma_start3A_17 = arith.constant 0 : i32
    %dma_start3A_18 = arith.constant 0 : i32
    %dma_start3A_19 = tpu.memref_slice %arg2[%dma_start3A_17, %dma_start3A_18] : memref<18432x1024xf32, #tpu.memory_space<hbm>> -> memref<18432x1024xf32, #tpu.memory_space<hbm>>
    tpu.enqueue_indirect_dma source(%dma_start3A_19 : memref<18432x1024xf32, #tpu.memory_space<hbm>>) target(%arg14 : memref<16x1024xf32, #tpu.memory_space<vmem>>) offsets(%get3A_14 : vector<16xi32>) semaphore(%arg18 : memref<!tpu.dma_semaphore, #tpu.memory_space<semaphore_mem>>)
    %dma_start3A_20 = arith.constant 0 : i32
    %dma_start3A_21 = arith.constant 0 : i32
    %dma_start3A_22 = tpu.memref_slice %arg2[%dma_start3A_20, %dma_start3A_21] : memref<18432x1024xf32, #tpu.memory_space<hbm>> -> memref<18432x1024xf32, #tpu.memory_space<hbm>>
    tpu.enqueue_indirect_dma source(%dma_start3A_22 : memref<18432x1024xf32, #tpu.memory_space<hbm>>) target(%arg15 : memref<16x1024xf32, #tpu.memory_space<vmem>>) offsets(%get3A_16 : vector<16xi32>) semaphore(%arg18 : memref<!tpu.dma_semaphore, #tpu.memory_space<semaphore_mem>>)
    %scan3A = arith.constant 0 : i32
    %scan3A_23 = arith.constant 0 : i32
    %scan3A_24 = arith.constant 8 : i32
    %scan3A_25 = arith.addi %scan3A_23, %scan3A_24 : i32
    %scan3A_26 = arith.constant 1 : i32
    %scan3A_27 = scf.for %scan3A_29 = %scan3A_23 to %scan3A_25 step %scan3A_26 iter_args(%scan3A_30 = %scan3A) -> (i32)  : i32 {
      %mul3A_31 = arith.constant 2 : i32
      %mul3A_32 = arith.muli %mul3A_31, %scan3A_29 : i32
      %get3A_33 = arith.constant 0 : index
      %get3A_34 = tpu.vector_load %arg8[%get3A_33] {strides = array<i32>} : memref<256xi32, #tpu.memory_space<vmem>>, vector<16xi32>,
      %get3A_35 = vector.shape_cast %get3A_34 : vector<16xi32> to vector<16xi32>
      %dma_wait3A = arith.constant 0 : i32
      %dma_wait3A_36 = arith.constant 0 : i32
      %dma_wait3A_37 = tpu.memref_slice %arg2[%dma_wait3A, %dma_wait3A_36] : memref<18432x1024xf32, #tpu.memory_space<hbm>> -> memref<18432x1024xf32, #tpu.memory_space<hbm>>
      tpu.wait_indirect_dma semaphore(%arg17 : memref<!tpu.dma_semaphore, #tpu.memory_space<semaphore_mem>>) src(%dma_wait3A_37 : memref<18432x1024xf32, #tpu.memory_space<hbm>>) dst(%arg12 : memref<16x1024xf32, #tpu.memory_space<vmem>>)
      %dma_wait3A_38 = arith.constant 0 : i32
      %dma_wait3A_39 = arith.constant 0 : i32
      %dma_wait3A_40 = tpu.memref_slice %arg2[%dma_wait3A_38, %dma_wait3A_39] : memref<18432x1024xf32, #tpu.memory_space<hbm>> -> memref<18432x1024xf32, #tpu.memory_space<hbm>>
      tpu.wait_indirect_dma semaphore(%arg17 : memref<!tpu.dma_semaphore, #tpu.memory_space<semaphore_mem>>) src(%dma_wait3A_40 : memref<18432x1024xf32, #tpu.memory_space<hbm>>) dst(%arg13 : memref<16x1024xf32, #tpu.memory_space<vmem>>)
      %mul3A_41 = arith.constant 16 : i32
      %mul3A_42 = arith.muli %mul3A_32, %mul3A_41 : i32
      %get3A_43 = arith.index_cast %mul3A_42 : i32 to index
      %get3A_44 = tpu.vector_load %arg10[%get3A_43] {strides = array<i32>} : memref<256xf32, #tpu.memory_space<vmem>>, vector<16xf32>,
      %mul3A_45 = arith.constant 16 : i32
      %mul3A_46 = arith.muli %mul3A_32, %mul3A_45 : i32
      %get3A_47 = arith.index_cast %mul3A_46 : i32 to index
      %get3A_48 = tpu.vector_load %arg11[%get3A_47] {strides = array<i32>} : memref<256xf32, #tpu.memory_space<vmem>>, vector<16xf32>,
      %scan3A_49 = arith.constant 0 : i32
      %scan3A_50 = arith.constant 0 : i32
      %scan3A_51 = arith.constant 16 : i32
      %scan3A_52 = arith.addi %scan3A_50, %scan3A_51 : i32
      %scan3A_53 = arith.constant 1 : i32
      %scan3A_54 = scf.for %scan3A_96 = %scan3A_50 to %scan3A_52 step %scan3A_53 iter_args(%scan3A_97 = %scan3A_49) -> (i32)  : i32 {
        %eq3A = vector.broadcast %scan3A_96 : i32 to vector<16xi32>
        %eq3A_98 = arith.cmpi eq, %iota3A, %eq3A : vector<16xi32>
        %jit3A = arith.constant 0.000000e+00 : f32
        %broadcast_in_dim3A = vector.broadcast %jit3A : f32 to vector<16xf32>
        %select_n3A = arith.select %eq3A_98, %get3A_44, %broadcast_in_dim3A : vector<16xi1>, vector<16xf32>
        %reduce_sum3A = arith.constant true
        %reduce_sum3A_99 = vector.broadcast %reduce_sum3A : i1 to vector<16xi1>
        %reduce_sum3A_100 = tpu.scan <sum>, %select_n3A masked %reduce_sum3A_99 : vector<16xf32>, vector<16xi1> -> vector<16xf32>
        %reduce_sum3A_101 = vector.extract %reduce_sum3A_100[15] : f32 from vector<16xf32>
        %broadcast_in_dim3A_102 = vector.broadcast %reduce_sum3A_101 : f32 to vector<16xf32>
        %eq3A_103 = vector.broadcast %scan3A_96 : i32 to vector<16xi32>
        %eq3A_104 = arith.cmpi eq, %iota3A, %eq3A_103 : vector<16xi32>
        %jit3A_105 = arith.constant 0.000000e+00 : f32
        %broadcast_in_dim3A_106 = vector.broadcast %jit3A_105 : f32 to vector<16xf32>
        %select_n3A_107 = arith.select %eq3A_104, %get3A_48, %broadcast_in_dim3A_106 : vector<16xi1>, vector<16xf32>
        %reduce_sum3A_108 = arith.constant true
        %reduce_sum3A_109 = vector.broadcast %reduce_sum3A_108 : i1 to vector<16xi1>
        %reduce_sum3A_110 = tpu.scan <sum>, %select_n3A_107 masked %reduce_sum3A_109 : vector<16xf32>, vector<16xi1> -> vector<16xf32>
        %reduce_sum3A_111 = vector.extract %reduce_sum3A_110[15] : f32 from vector<16xf32>
        %broadcast_in_dim3A_112 = vector.broadcast %reduce_sum3A_111 : f32 to vector<16xf32>
        %scan3A_113 = arith.constant 0 : i32
        %scan3A_114 = arith.constant 0 : i32
        %scan3A_115 = arith.constant 8 : i32
        %scan3A_116 = arith.addi %scan3A_114, %scan3A_115 : i32
        %scan3A_117 = arith.constant 1 : i32
        %scan3A_118 = scf.for %scan3A_121 = %scan3A_114 to %scan3A_116 step %scan3A_117 iter_args(%scan3A_122 = %scan3A_113) -> (i32)  : i32 {
          %mul3A_123 = arith.constant 128 : i32
          %mul3A_124 = arith.muli %scan3A_121, %mul3A_123 : i32
          %add3A_125 = arith.constant 0 : i32
          %add3A_126 = arith.addi %mul3A_124, %add3A_125 : i32
          %get3A_127 = arith.index_cast %scan3A_96 : i32 to index
          %get3A_128 = arith.index_cast %add3A_126 : i32 to index
          %get3A_129 = tpu.vector_load %arg12[%get3A_127, %get3A_128] {strides = array<i32>} : memref<16x1024xf32, #tpu.memory_space<vmem>>, vector<16xf32>,
          %mul3A_130 = arith.mulf %broadcast_in_dim3A_102, %get3A_129 : vector<16xf32>
          %get3A_131 = arith.index_cast %scan3A_96 : i32 to index
          %get3A_132 = arith.index_cast %add3A_126 : i32 to index
          %get3A_133 = tpu.vector_load %arg13[%get3A_131, %get3A_132] {strides = array<i32>} : memref<16x1024xf32, #tpu.memory_space<vmem>>, vector<16xf32>,
          %mul3A_134 = arith.mulf %broadcast_in_dim3A_112, %get3A_133 : vector<16xf32>
          %add3A_135 = arith.addf %mul3A_130, %mul3A_134 : vector<16xf32>
          %swap3A = arith.index_cast %scan3A_96 : i32 to index
          %swap3A_136 = arith.index_cast %add3A_126 : i32 to index
          %swap3A_137 = tpu.vector_load %arg16[%swap3A, %swap3A_136] {strides = array<i32>} : memref<16x1024xf32, #tpu.memory_space<vmem>>, vector<16xf32>,
          tpu.vector_store %arg16[%swap3A, %swap3A_136], %add3A_135 {strides = array<i32>} : memref<16x1024xf32, #tpu.memory_space<vmem>>, vector<16xf32>,
          %mul3A_138 = arith.constant 128 : i32
          %mul3A_139 = arith.muli %scan3A_121, %mul3A_138 : i32
          %add3A_140 = arith.constant 16 : i32
          %add3A_141 = arith.addi %mul3A_139, %add3A_140 : i32
          %get3A_142 = arith.index_cast %scan3A_96 : i32 to index
          %get3A_143 = arith.index_cast %add3A_141 : i32 to index
          %get3A_144 = tpu.vector_load %arg12[%get3A_142, %get3A_143] {strides = array<i32>} : memref<16x1024xf32, #tpu.memory_space<vmem>>, vector<16xf32>,
          %mul3A_145 = arith.mulf %broadcast_in_dim3A_102, %get3A_144 : vector<16xf32>
          %get3A_146 = arith.index_cast %scan3A_96 : i32 to index
          %get3A_147 = arith.index_cast %add3A_141 : i32 to index
          %get3A_148 = tpu.vector_load %arg13[%get3A_146, %get3A_147] {strides = array<i32>} : memref<16x1024xf32, #tpu.memory_space<vmem>>, vector<16xf32>,
          %mul3A_149 = arith.mulf %broadcast_in_dim3A_112, %get3A_148 : vector<16xf32>
          %add3A_150 = arith.addf %mul3A_145, %mul3A_149 : vector<16xf32>
          %swap3A_151 = arith.index_cast %scan3A_96 : i32 to index
          %swap3A_152 = arith.index_cast %add3A_141 : i32 to index
          %swap3A_153 = tpu.vector_load %arg16[%swap3A_151, %swap3A_152] {strides = array<i32>} : memref<16x1024xf32, #tpu.memory_space<vmem>>, vector<16xf32>,
          tpu.vector_store %arg16[%swap3A_151, %swap3A_152], %add3A_150 {strides = array<i32>} : memref<16x1024xf32, #tpu.memory_space<vmem>>, vector<16xf32>,
          %mul3A_154 = arith.constant 128 : i32
          %mul3A_155 = arith.muli %scan3A_121, %mul3A_154 : i32
          %add3A_156 = arith.constant 32 : i32
          %add3A_157 = arith.addi %mul3A_155, %add3A_156 : i32
          %get3A_158 = arith.index_cast %scan3A_96 : i32 to index
          %get3A_159 = arith.index_cast %add3A_157 : i32 to index
          %get3A_160 = tpu.vector_load %arg12[%get3A_158, %get3A_159] {strides = array<i32>} : memref<16x1024xf32, #tpu.memory_space<vmem>>, vector<16xf32>,
          %mul3A_161 = arith.mulf %broadcast_in_dim3A_102, %get3A_160 : vector<16xf32>
          %get3A_162 = arith.index_cast %scan3A_96 : i32 to index
          %get3A_163 = arith.index_cast %add3A_157 : i32 to index
          %get3A_164 = tpu.vector_load %arg13[%get3A_162, %get3A_163] {strides = array<i32>} : memref<16x1024xf32, #tpu.memory_space<vmem>>, vector<16xf32>,
          %mul3A_165 = arith.mulf %broadcast_in_dim3A_112, %get3A_164 : vector<16xf32>
          %add3A_166 = arith.addf %mul3A_161, %mul3A_165 : vector<16xf32>
          %swap3A_167 = arith.index_cast %scan3A_96 : i32 to index
          %swap3A_168 = arith.index_cast %add3A_157 : i32 to index
          %swap3A_169 = tpu.vector_load %arg16[%swap3A_167, %swap3A_168] {strides = array<i32>} : memref<16x1024xf32, #tpu.memory_space<vmem>>, vector<16xf32>,
          tpu.vector_store %arg16[%swap3A_167, %swap3A_168], %add3A_166 {strides = array<i32>} : memref<16x1024xf32, #tpu.memory_space<vmem>>, vector<16xf32>,
          %mul3A_170 = arith.constant 128 : i32
          %mul3A_171 = arith.muli %scan3A_121, %mul3A_170 : i32
          %add3A_172 = arith.constant 48 : i32
          %add3A_173 = arith.addi %mul3A_171, %add3A_172 : i32
          %get3A_174 = arith.index_cast %scan3A_96 : i32 to index
          %get3A_175 = arith.index_cast %add3A_173 : i32 to index
          %get3A_176 = tpu.vector_load %arg12[%get3A_174, %get3A_175] {strides = array<i32>} : memref<16x1024xf32, #tpu.memory_space<vmem>>, vector<16xf32>,
          %mul3A_177 = arith.mulf %broadcast_in_dim3A_102, %get3A_176 : vector<16xf32>
          %get3A_178 = arith.index_cast %scan3A_96 : i32 to index
          %get3A_179 = arith.index_cast %add3A_173 : i32 to index
          %get3A_180 = tpu.vector_load %arg13[%get3A_178, %get3A_179] {strides = array<i32>} : memref<16x1024xf32, #tpu.memory_space<vmem>>, vector<16xf32>,
          %mul3A_181 = arith.mulf %broadcast_in_dim3A_112, %get3A_180 : vector<16xf32>
          %add3A_182 = arith.addf %mul3A_177, %mul3A_181 : vector<16xf32>
          %swap3A_183 = arith.index_cast %scan3A_96 : i32 to index
          %swap3A_184 = arith.index_cast %add3A_173 : i32 to index
          %swap3A_185 = tpu.vector_load %arg16[%swap3A_183, %swap3A_184] {strides = array<i32>} : memref<16x1024xf32, #tpu.memory_space<vmem>>, vector<16xf32>,
          tpu.vector_store %arg16[%swap3A_183, %swap3A_184], %add3A_182 {strides = array<i32>} : memref<16x1024xf32, #tpu.memory_space<vmem>>, vector<16xf32>,
          %mul3A_186 = arith.constant 128 : i32
          %mul3A_187 = arith.muli %scan3A_121, %mul3A_186 : i32
          %add3A_188 = arith.constant 64 : i32
          %add3A_189 = arith.addi %mul3A_187, %add3A_188 : i32
          %get3A_190 = arith.index_cast %scan3A_96 : i32 to index
          %get3A_191 = arith.index_cast %add3A_189 : i32 to index
          %get3A_192 = tpu.vector_load %arg12[%get3A_190, %get3A_191] {strides = array<i32>} : memref<16x1024xf32, #tpu.memory_space<vmem>>, vector<16xf32>,
          %mul3A_193 = arith.mulf %broadcast_in_dim3A_102, %get3A_192 : vector<16xf32>
          %get3A_194 = arith.index_cast %scan3A_96 : i32 to index
          %get3A_195 = arith.index_cast %add3A_189 : i32 to index
          %get3A_196 = tpu.vector_load %arg13[%get3A_194, %get3A_195] {strides = array<i32>} : memref<16x1024xf32, #tpu.memory_space<vmem>>, vector<16xf32>,
          %mul3A_197 = arith.mulf %broadcast_in_dim3A_112, %get3A_196 : vector<16xf32>
          %add3A_198 = arith.addf %mul3A_193, %mul3A_197 : vector<16xf32>
          %swap3A_199 = arith.index_cast %scan3A_96 : i32 to index
          %swap3A_200 = arith.index_cast %add3A_189 : i32 to index
          %swap3A_201 = tpu.vector_load %arg16[%swap3A_199, %swap3A_200] {strides = array<i32>} : memref<16x1024xf32, #tpu.memory_space<vmem>>, vector<16xf32>,
          tpu.vector_store %arg16[%swap3A_199, %swap3A_200], %add3A_198 {strides = array<i32>} : memref<16x1024xf32, #tpu.memory_space<vmem>>, vector<16xf32>,
          %mul3A_202 = arith.constant 128 : i32
          %mul3A_203 = arith.muli %scan3A_121, %mul3A_202 : i32
          %add3A_204 = arith.constant 80 : i32
          %add3A_205 = arith.addi %mul3A_203, %add3A_204 : i32
          %get3A_206 = arith.index_cast %scan3A_96 : i32 to index
          %get3A_207 = arith.index_cast %add3A_205 : i32 to index
          %get3A_208 = tpu.vector_load %arg12[%get3A_206, %get3A_207] {strides = array<i32>} : memref<16x1024xf32, #tpu.memory_space<vmem>>, vector<16xf32>,
          %mul3A_209 = arith.mulf %broadcast_in_dim3A_102, %get3A_208 : vector<16xf32>
          %get3A_210 = arith.index_cast %scan3A_96 : i32 to index
          %get3A_211 = arith.index_cast %add3A_205 : i32 to index
          %get3A_212 = tpu.vector_load %arg13[%get3A_210, %get3A_211] {strides = array<i32>} : memref<16x1024xf32, #tpu.memory_space<vmem>>, vector<16xf32>,
          %mul3A_213 = arith.mulf %broadcast_in_dim3A_112, %get3A_212 : vector<16xf32>
          %add3A_214 = arith.addf %mul3A_209, %mul3A_213 : vector<16xf32>
          %swap3A_215 = arith.index_cast %scan3A_96 : i32 to index
          %swap3A_216 = arith.index_cast %add3A_205 : i32 to index
          %swap3A_217 = tpu.vector_load %arg16[%swap3A_215, %swap3A_216] {strides = array<i32>} : memref<16x1024xf32, #tpu.memory_space<vmem>>, vector<16xf32>,
          tpu.vector_store %arg16[%swap3A_215, %swap3A_216], %add3A_214 {strides = array<i32>} : memref<16x1024xf32, #tpu.memory_space<vmem>>, vector<16xf32>,
          %mul3A_218 = arith.constant 128 : i32
          %mul3A_219 = arith.muli %scan3A_121, %mul3A_218 : i32
          %add3A_220 = arith.constant 96 : i32
          %add3A_221 = arith.addi %mul3A_219, %add3A_220 : i32
          %get3A_222 = arith.index_cast %scan3A_96 : i32 to index
          %get3A_223 = arith.index_cast %add3A_221 : i32 to index
          %get3A_224 = tpu.vector_load %arg12[%get3A_222, %get3A_223] {strides = array<i32>} : memref<16x1024xf32, #tpu.memory_space<vmem>>, vector<16xf32>,
          %mul3A_225 = arith.mulf %broadcast_in_dim3A_102, %get3A_224 : vector<16xf32>
          %get3A_226 = arith.index_cast %scan3A_96 : i32 to index
          %get3A_227 = arith.index_cast %add3A_221 : i32 to index
          %get3A_228 = tpu.vector_load %arg13[%get3A_226, %get3A_227] {strides = array<i32>} : memref<16x1024xf32, #tpu.memory_space<vmem>>, vector<16xf32>,
          %mul3A_229 = arith.mulf %broadcast_in_dim3A_112, %get3A_228 : vector<16xf32>
          %add3A_230 = arith.addf %mul3A_225, %mul3A_229 : vector<16xf32>
          %swap3A_231 = arith.index_cast %scan3A_96 : i32 to index
          %swap3A_232 = arith.index_cast %add3A_221 : i32 to index
          %swap3A_233 = tpu.vector_load %arg16[%swap3A_231, %swap3A_232] {strides = array<i32>} : memref<16x1024xf32, #tpu.memory_space<vmem>>, vector<16xf32>,
          tpu.vector_store %arg16[%swap3A_231, %swap3A_232], %add3A_230 {strides = array<i32>} : memref<16x1024xf32, #tpu.memory_space<vmem>>, vector<16xf32>,
          %mul3A_234 = arith.constant 128 : i32
          %mul3A_235 = arith.muli %scan3A_121, %mul3A_234 : i32
          %add3A_236 = arith.constant 112 : i32
          %add3A_237 = arith.addi %mul3A_235, %add3A_236 : i32
          %get3A_238 = arith.index_cast %scan3A_96 : i32 to index
          %get3A_239 = arith.index_cast %add3A_237 : i32 to index
          %get3A_240 = tpu.vector_load %arg12[%get3A_238, %get3A_239] {strides = array<i32>} : memref<16x1024xf32, #tpu.memory_space<vmem>>, vector<16xf32>,
          %mul3A_241 = arith.mulf %broadcast_in_dim3A_102, %get3A_240 : vector<16xf32>
          %get3A_242 = arith.index_cast %scan3A_96 : i32 to index
          %get3A_243 = arith.index_cast %add3A_237 : i32 to index
          %get3A_244 = tpu.vector_load %arg13[%get3A_242, %get3A_243] {strides = array<i32>} : memref<16x1024xf32, #tpu.memory_space<vmem>>, vector<16xf32>,
          %mul3A_245 = arith.mulf %broadcast_in_dim3A_112, %get3A_244 : vector<16xf32>
          %add3A_246 = arith.addf %mul3A_241, %mul3A_245 : vector<16xf32>
          %swap3A_247 = arith.index_cast %scan3A_96 : i32 to index
          %swap3A_248 = arith.index_cast %add3A_237 : i32 to index
          %swap3A_249 = tpu.vector_load %arg16[%swap3A_247, %swap3A_248] {strides = array<i32>} : memref<16x1024xf32, #tpu.memory_space<vmem>>, vector<16xf32>,
          tpu.vector_store %arg16[%swap3A_247, %swap3A_248], %add3A_246 {strides = array<i32>} : memref<16x1024xf32, #tpu.memory_space<vmem>>, vector<16xf32>,
          %scan3A_250 = arith.constant 0 : i32
          scf.yield %scan3A_250 : i32
        }
        %scan3A_119 = arith.constant 8 : i32
        %scan3A_120 = arith.constant 0 : i32
        scf.yield %scan3A_120 : i32
      }
      %scan3A_55 = arith.constant 16 : i32
      %mul3A_56 = arith.constant 16 : i32
      %mul3A_57 = arith.muli %mul3A_32, %mul3A_56 : i32
      %add3A_58 = arith.addi %mul3A_2, %mul3A_57 : i32
      "tpu.region"() ({
        %run_scoped3A = tpu.sem_alloc : memref<!tpu.dma_semaphore, #tpu.memory_space<semaphore_mem>>
        %dma_start3A_96 = arith.constant 0 : i32
        %dma_start3A_97 = tpu.memref_slice %arg7[%add3A_58, %dma_start3A_96] : memref<8192x1024xf32, #tpu.memory_space<hbm>> -> memref<16x1024xf32, #tpu.memory_space<hbm>>
        %dma_start3A_98 = arith.constant 0 : i32
        %dma_start3A_99 = tpu.memref_slice %arg7[%add3A_58, %dma_start3A_98] : memref<8192x1024xf32, #tpu.memory_space<hbm>> -> memref<16x1024xf32, #tpu.memory_space<hbm>>
        tpu.enqueue_dma source(%arg16 : memref<16x1024xf32, #tpu.memory_space<vmem>>) target(%dma_start3A_99 : memref<16x1024xf32, #tpu.memory_space<hbm>>) target_semaphore(%run_scoped3A : memref<!tpu.dma_semaphore, #tpu.memory_space<semaphore_mem>>)
        %dma_wait3A_100 = arith.constant 0 : i32
        %dma_wait3A_101 = tpu.memref_slice %arg7[%add3A_58, %dma_wait3A_100] : memref<8192x1024xf32, #tpu.memory_space<hbm>> -> memref<16x1024xf32, #tpu.memory_space<hbm>>
        %dma_wait3A_102 = arith.constant 0 : i32
        %dma_wait3A_103 = tpu.memref_slice %arg7[%add3A_58, %dma_wait3A_102] : memref<8192x1024xf32, #tpu.memory_space<hbm>> -> memref<16x1024xf32, #tpu.memory_space<hbm>>
        tpu.wait_dma2 semaphore(%run_scoped3A : memref<!tpu.dma_semaphore, #tpu.memory_space<semaphore_mem>>) src(%arg16 : memref<16x1024xf32, #tpu.memory_space<vmem>>) dst(%dma_wait3A_103 : memref<16x1024xf32, #tpu.memory_space<hbm>>)
        tpu.yield
      }) : () -> ()
      %lt3A = arith.constant 7 : i32
      %lt3A_59 = arith.cmpi slt, %scan3A_29, %lt3A : i32
      %convert_element_type3A = arith.extui %lt3A_59 : i1 to i32
      %cond3A = arith.constant 0 : i32
      %cond3A_60 = arith.cmpi ne, %convert_element_type3A, %cond3A : i32
      scf.if %cond3A_60 {
        %add3A_96 = arith.constant 2 : i32
        %add3A_97 = arith.addi %mul3A_32, %add3A_96 : i32
        %mul3A_98 = arith.constant 16 : i32
        %mul3A_99 = arith.muli %add3A_97, %mul3A_98 : i32
        %get3A_100 = arith.index_cast %mul3A_99 : i32 to index
        %get3A_101 = tpu.vector_load %arg8[%get3A_100] {strides = array<i32>} : memref<256xi32, #tpu.memory_space<vmem>>, vector<16xi32>,
        %get3A_102 = vector.shape_cast %get3A_101 : vector<16xi32> to vector<16xi32>
        %mul3A_103 = arith.constant 16 : i32
        %mul3A_104 = arith.muli %add3A_97, %mul3A_103 : i32
        %get3A_105 = arith.index_cast %mul3A_104 : i32 to index
        %get3A_106 = tpu.vector_load %arg9[%get3A_105] {strides = array<i32>} : memref<256xi32, #tpu.memory_space<vmem>>, vector<16xi32>,
        %get3A_107 = vector.shape_cast %get3A_106 : vector<16xi32> to vector<16xi32>
        %dma_start3A_108 = arith.constant 0 : i32
        %dma_start3A_109 = arith.constant 0 : i32
        %dma_start3A_110 = tpu.memref_slice %arg2[%dma_start3A_108, %dma_start3A_109] : memref<18432x1024xf32, #tpu.memory_space<hbm>> -> memref<18432x1024xf32, #tpu.memory_space<hbm>>
        tpu.enqueue_indirect_dma source(%dma_start3A_110 : memref<18432x1024xf32, #tpu.memory_space<hbm>>) target(%arg12 : memref<16x1024xf32, #tpu.memory_space<vmem>>) offsets(%get3A_102 : vector<16xi32>) semaphore(%arg17 : memref<!tpu.dma_semaphore, #tpu.memory_space<semaphore_mem>>)
        %dma_start3A_111 = arith.constant 0 : i32
        %dma_start3A_112 = arith.constant 0 : i32
        %dma_start3A_113 = tpu.memref_slice %arg2[%dma_start3A_111, %dma_start3A_112] : memref<18432x1024xf32, #tpu.memory_space<hbm>> -> memref<18432x1024xf32, #tpu.memory_space<hbm>>
        tpu.enqueue_indirect_dma source(%dma_start3A_113 : memref<18432x1024xf32, #tpu.memory_space<hbm>>) target(%arg13 : memref<16x1024xf32, #tpu.memory_space<vmem>>) offsets(%get3A_107 : vector<16xi32>) semaphore(%arg17 : memref<!tpu.dma_semaphore, #tpu.memory_space<semaphore_mem>>)
      } else {
      }
      %add3A_61 = arith.constant 1 : i32
      %add3A_62 = arith.addi %mul3A_32, %add3A_61 : i32
      %get3A_63 = arith.constant 0 : index
      %get3A_64 = tpu.vector_load %arg8[%get3A_63] {strides = array<i32>} : memref<256xi32, #tpu.memory_space<vmem>>, vector<16xi32>,
      %get3A_65 = vector.shape_cast %get3A_64 : vector<16xi32> to vector<16xi32>
      %dma_wait3A_66 = arith.constant 0 : i32
      %dma_wait3A_67 = arith.constant 0 : i32
      %dma_wait3A_68 = tpu.memref_slice %arg2[%dma_wait3A_66, %dma_wait3A_67] : memref<18432x1024xf32, #tpu.memory_space<hbm>> -> memref<18432x1024xf32, #tpu.memory_space<hbm>>
      tpu.wait_indirect_dma semaphore(%arg18 : memref<!tpu.dma_semaphore, #tpu.memory_space<semaphore_mem>>) src(%dma_wait3A_68 : memref<18432x1024xf32, #tpu.memory_space<hbm>>) dst(%arg14 : memref<16x1024xf32, #tpu.memory_space<vmem>>)
      %dma_wait3A_69 = arith.constant 0 : i32
      %dma_wait3A_70 = arith.constant 0 : i32
      %dma_wait3A_71 = tpu.memref_slice %arg2[%dma_wait3A_69, %dma_wait3A_70] : memref<18432x1024xf32, #tpu.memory_space<hbm>> -> memref<18432x1024xf32, #tpu.memory_space<hbm>>
      tpu.wait_indirect_dma semaphore(%arg18 : memref<!tpu.dma_semaphore, #tpu.memory_space<semaphore_mem>>) src(%dma_wait3A_71 : memref<18432x1024xf32, #tpu.memory_space<hbm>>) dst(%arg15 : memref<16x1024xf32, #tpu.memory_space<vmem>>)
      %mul3A_72 = arith.constant 16 : i32
      %mul3A_73 = arith.muli %add3A_62, %mul3A_72 : i32
      %get3A_74 = arith.index_cast %mul3A_73 : i32 to index
      %get3A_75 = tpu.vector_load %arg10[%get3A_74] {strides = array<i32>} : memref<256xf32, #tpu.memory_space<vmem>>, vector<16xf32>,
      %mul3A_76 = arith.constant 16 : i32
      %mul3A_77 = arith.muli %add3A_62, %mul3A_76 : i32
      %get3A_78 = arith.index_cast %mul3A_77 : i32 to index
      %get3A_79 = tpu.vector_load %arg11[%get3A_78] {strides = array<i32>} : memref<256xf32, #tpu.memory_space<vmem>>, vector<16xf32>,
      %scan3A_80 = arith.constant 0 : i32
      %scan3A_81 = arith.constant 0 : i32
      %scan3A_82 = arith.constant 16 : i32
      %scan3A_83 = arith.addi %scan3A_81, %scan3A_82 : i32
      %scan3A_84 = arith.constant 1 : i32
      %scan3A_85 = scf.for %scan3A_96 = %scan3A_81 to %scan3A_83 step %scan3A_84 iter_args(%scan3A_97 = %scan3A_80) -> (i32)  : i32 {
        %eq3A = vector.broadcast %scan3A_96 : i32 to vector<16xi32>
        %eq3A_98 = arith.cmpi eq, %iota3A, %eq3A : vector<16xi32>
        %jit3A = arith.constant 0.000000e+00 : f32
        %broadcast_in_dim3A = vector.broadcast %jit3A : f32 to vector<16xf32>
        %select_n3A = arith.select %eq3A_98, %get3A_75, %broadcast_in_dim3A : vector<16xi1>, vector<16xf32>
        %reduce_sum3A = arith.constant true
        %reduce_sum3A_99 = vector.broadcast %reduce_sum3A : i1 to vector<16xi1>
        %reduce_sum3A_100 = tpu.scan <sum>, %select_n3A masked %reduce_sum3A_99 : vector<16xf32>, vector<16xi1> -> vector<16xf32>
        %reduce_sum3A_101 = vector.extract %reduce_sum3A_100[15] : f32 from vector<16xf32>
        %broadcast_in_dim3A_102 = vector.broadcast %reduce_sum3A_101 : f32 to vector<16xf32>
        %eq3A_103 = vector.broadcast %scan3A_96 : i32 to vector<16xi32>
        %eq3A_104 = arith.cmpi eq, %iota3A, %eq3A_103 : vector<16xi32>
        %jit3A_105 = arith.constant 0.000000e+00 : f32
        %broadcast_in_dim3A_106 = vector.broadcast %jit3A_105 : f32 to vector<16xf32>
        %select_n3A_107 = arith.select %eq3A_104, %get3A_79, %broadcast_in_dim3A_106 : vector<16xi1>, vector<16xf32>
        %reduce_sum3A_108 = arith.constant true
        %reduce_sum3A_109 = vector.broadcast %reduce_sum3A_108 : i1 to vector<16xi1>
        %reduce_sum3A_110 = tpu.scan <sum>, %select_n3A_107 masked %reduce_sum3A_109 : vector<16xf32>, vector<16xi1> -> vector<16xf32>
        %reduce_sum3A_111 = vector.extract %reduce_sum3A_110[15] : f32 from vector<16xf32>
        %broadcast_in_dim3A_112 = vector.broadcast %reduce_sum3A_111 : f32 to vector<16xf32>
        %scan3A_113 = arith.constant 0 : i32
        %scan3A_114 = arith.constant 0 : i32
        %scan3A_115 = arith.constant 8 : i32
        %scan3A_116 = arith.addi %scan3A_114, %scan3A_115 : i32
        %scan3A_117 = arith.constant 1 : i32
        %scan3A_118 = scf.for %scan3A_121 = %scan3A_114 to %scan3A_116 step %scan3A_117 iter_args(%scan3A_122 = %scan3A_113) -> (i32)  : i32 {
          %mul3A_123 = arith.constant 128 : i32
          %mul3A_124 = arith.muli %scan3A_121, %mul3A_123 : i32
          %add3A_125 = arith.constant 0 : i32
          %add3A_126 = arith.addi %mul3A_124, %add3A_125 : i32
          %get3A_127 = arith.index_cast %scan3A_96 : i32 to index
          %get3A_128 = arith.index_cast %add3A_126 : i32 to index
          %get3A_129 = tpu.vector_load %arg14[%get3A_127, %get3A_128] {strides = array<i32>} : memref<16x1024xf32, #tpu.memory_space<vmem>>, vector<16xf32>,
          %mul3A_130 = arith.mulf %broadcast_in_dim3A_102, %get3A_129 : vector<16xf32>
          %get3A_131 = arith.index_cast %scan3A_96 : i32 to index
          %get3A_132 = arith.index_cast %add3A_126 : i32 to index
          %get3A_133 = tpu.vector_load %arg15[%get3A_131, %get3A_132] {strides = array<i32>} : memref<16x1024xf32, #tpu.memory_space<vmem>>, vector<16xf32>,
          %mul3A_134 = arith.mulf %broadcast_in_dim3A_112, %get3A_133 : vector<16xf32>
          %add3A_135 = arith.addf %mul3A_130, %mul3A_134 : vector<16xf32>
          %swap3A = arith.index_cast %scan3A_96 : i32 to index
          %swap3A_136 = arith.index_cast %add3A_126 : i32 to index
          %swap3A_137 = tpu.vector_load %arg16[%swap3A, %swap3A_136] {strides = array<i32>} : memref<16x1024xf32, #tpu.memory_space<vmem>>, vector<16xf32>,
          tpu.vector_store %arg16[%swap3A, %swap3A_136], %add3A_135 {strides = array<i32>} : memref<16x1024xf32, #tpu.memory_space<vmem>>, vector<16xf32>,
          %mul3A_138 = arith.constant 128 : i32
          %mul3A_139 = arith.muli %scan3A_121, %mul3A_138 : i32
          %add3A_140 = arith.constant 16 : i32
          %add3A_141 = arith.addi %mul3A_139, %add3A_140 : i32
          %get3A_142 = arith.index_cast %scan3A_96 : i32 to index
          %get3A_143 = arith.index_cast %add3A_141 : i32 to index
          %get3A_144 = tpu.vector_load %arg14[%get3A_142, %get3A_143] {strides = array<i32>} : memref<16x1024xf32, #tpu.memory_space<vmem>>, vector<16xf32>,
          %mul3A_145 = arith.mulf %broadcast_in_dim3A_102, %get3A_144 : vector<16xf32>
          %get3A_146 = arith.index_cast %scan3A_96 : i32 to index
          %get3A_147 = arith.index_cast %add3A_141 : i32 to index
          %get3A_148 = tpu.vector_load %arg15[%get3A_146, %get3A_147] {strides = array<i32>} : memref<16x1024xf32, #tpu.memory_space<vmem>>, vector<16xf32>,
          %mul3A_149 = arith.mulf %broadcast_in_dim3A_112, %get3A_148 : vector<16xf32>
          %add3A_150 = arith.addf %mul3A_145, %mul3A_149 : vector<16xf32>
          %swap3A_151 = arith.index_cast %scan3A_96 : i32 to index
          %swap3A_152 = arith.index_cast %add3A_141 : i32 to index
          %swap3A_153 = tpu.vector_load %arg16[%swap3A_151, %swap3A_152] {strides = array<i32>} : memref<16x1024xf32, #tpu.memory_space<vmem>>, vector<16xf32>,
          tpu.vector_store %arg16[%swap3A_151, %swap3A_152], %add3A_150 {strides = array<i32>} : memref<16x1024xf32, #tpu.memory_space<vmem>>, vector<16xf32>,
          %mul3A_154 = arith.constant 128 : i32
          %mul3A_155 = arith.muli %scan3A_121, %mul3A_154 : i32
          %add3A_156 = arith.constant 32 : i32
          %add3A_157 = arith.addi %mul3A_155, %add3A_156 : i32
          %get3A_158 = arith.index_cast %scan3A_96 : i32 to index
          %get3A_159 = arith.index_cast %add3A_157 : i32 to index
          %get3A_160 = tpu.vector_load %arg14[%get3A_158, %get3A_159] {strides = array<i32>} : memref<16x1024xf32, #tpu.memory_space<vmem>>, vector<16xf32>,
          %mul3A_161 = arith.mulf %broadcast_in_dim3A_102, %get3A_160 : vector<16xf32>
          %get3A_162 = arith.index_cast %scan3A_96 : i32 to index
          %get3A_163 = arith.index_cast %add3A_157 : i32 to index
          %get3A_164 = tpu.vector_load %arg15[%get3A_162, %get3A_163] {strides = array<i32>} : memref<16x1024xf32, #tpu.memory_space<vmem>>, vector<16xf32>,
          %mul3A_165 = arith.mulf %broadcast_in_dim3A_112, %get3A_164 : vector<16xf32>
          %add3A_166 = arith.addf %mul3A_161, %mul3A_165 : vector<16xf32>
          %swap3A_167 = arith.index_cast %scan3A_96 : i32 to index
          %swap3A_168 = arith.index_cast %add3A_157 : i32 to index
          %swap3A_169 = tpu.vector_load %arg16[%swap3A_167, %swap3A_168] {strides = array<i32>} : memref<16x1024xf32, #tpu.memory_space<vmem>>, vector<16xf32>,
          tpu.vector_store %arg16[%swap3A_167, %swap3A_168], %add3A_166 {strides = array<i32>} : memref<16x1024xf32, #tpu.memory_space<vmem>>, vector<16xf32>,
          %mul3A_170 = arith.constant 128 : i32
          %mul3A_171 = arith.muli %scan3A_121, %mul3A_170 : i32
          %add3A_172 = arith.constant 48 : i32
          %add3A_173 = arith.addi %mul3A_171, %add3A_172 : i32
          %get3A_174 = arith.index_cast %scan3A_96 : i32 to index
          %get3A_175 = arith.index_cast %add3A_173 : i32 to index
          %get3A_176 = tpu.vector_load %arg14[%get3A_174, %get3A_175] {strides = array<i32>} : memref<16x1024xf32, #tpu.memory_space<vmem>>, vector<16xf32>,
          %mul3A_177 = arith.mulf %broadcast_in_dim3A_102, %get3A_176 : vector<16xf32>
          %get3A_178 = arith.index_cast %scan3A_96 : i32 to index
          %get3A_179 = arith.index_cast %add3A_173 : i32 to index
          %get3A_180 = tpu.vector_load %arg15[%get3A_178, %get3A_179] {strides = array<i32>} : memref<16x1024xf32, #tpu.memory_space<vmem>>, vector<16xf32>,
          %mul3A_181 = arith.mulf %broadcast_in_dim3A_112, %get3A_180 : vector<16xf32>
          %add3A_182 = arith.addf %mul3A_177, %mul3A_181 : vector<16xf32>
          %swap3A_183 = arith.index_cast %scan3A_96 : i32 to index
          %swap3A_184 = arith.index_cast %add3A_173 : i32 to index
          %swap3A_185 = tpu.vector_load %arg16[%swap3A_183, %swap3A_184] {strides = array<i32>} : memref<16x1024xf32, #tpu.memory_space<vmem>>, vector<16xf32>,
          tpu.vector_store %arg16[%swap3A_183, %swap3A_184], %add3A_182 {strides = array<i32>} : memref<16x1024xf32, #tpu.memory_space<vmem>>, vector<16xf32>,
          %mul3A_186 = arith.constant 128 : i32
          %mul3A_187 = arith.muli %scan3A_121, %mul3A_186 : i32
          %add3A_188 = arith.constant 64 : i32
          %add3A_189 = arith.addi %mul3A_187, %add3A_188 : i32
          %get3A_190 = arith.index_cast %scan3A_96 : i32 to index
          %get3A_191 = arith.index_cast %add3A_189 : i32 to index
          %get3A_192 = tpu.vector_load %arg14[%get3A_190, %get3A_191] {strides = array<i32>} : memref<16x1024xf32, #tpu.memory_space<vmem>>, vector<16xf32>,
          %mul3A_193 = arith.mulf %broadcast_in_dim3A_102, %get3A_192 : vector<16xf32>
          %get3A_194 = arith.index_cast %scan3A_96 : i32 to index
          %get3A_195 = arith.index_cast %add3A_189 : i32 to index
          %get3A_196 = tpu.vector_load %arg15[%get3A_194, %get3A_195] {strides = array<i32>} : memref<16x1024xf32, #tpu.memory_space<vmem>>, vector<16xf32>,
          %mul3A_197 = arith.mulf %broadcast_in_dim3A_112, %get3A_196 : vector<16xf32>
          %add3A_198 = arith.addf %mul3A_193, %mul3A_197 : vector<16xf32>
          %swap3A_199 = arith.index_cast %scan3A_96 : i32 to index
          %swap3A_200 = arith.index_cast %add3A_189 : i32 to index
          %swap3A_201 = tpu.vector_load %arg16[%swap3A_199, %swap3A_200] {strides = array<i32>} : memref<16x1024xf32, #tpu.memory_space<vmem>>, vector<16xf32>,
          tpu.vector_store %arg16[%swap3A_199, %swap3A_200], %add3A_198 {strides = array<i32>} : memref<16x1024xf32, #tpu.memory_space<vmem>>, vector<16xf32>,
          %mul3A_202 = arith.constant 128 : i32
          %mul3A_203 = arith.muli %scan3A_121, %mul3A_202 : i32
          %add3A_204 = arith.constant 80 : i32
          %add3A_205 = arith.addi %mul3A_203, %add3A_204 : i32
          %get3A_206 = arith.index_cast %scan3A_96 : i32 to index
          %get3A_207 = arith.index_cast %add3A_205 : i32 to index
          %get3A_208 = tpu.vector_load %arg14[%get3A_206, %get3A_207] {strides = array<i32>} : memref<16x1024xf32, #tpu.memory_space<vmem>>, vector<16xf32>,
          %mul3A_209 = arith.mulf %broadcast_in_dim3A_102, %get3A_208 : vector<16xf32>
          %get3A_210 = arith.index_cast %scan3A_96 : i32 to index
          %get3A_211 = arith.index_cast %add3A_205 : i32 to index
          %get3A_212 = tpu.vector_load %arg15[%get3A_210, %get3A_211] {strides = array<i32>} : memref<16x1024xf32, #tpu.memory_space<vmem>>, vector<16xf32>,
          %mul3A_213 = arith.mulf %broadcast_in_dim3A_112, %get3A_212 : vector<16xf32>
          %add3A_214 = arith.addf %mul3A_209, %mul3A_213 : vector<16xf32>
          %swap3A_215 = arith.index_cast %scan3A_96 : i32 to index
          %swap3A_216 = arith.index_cast %add3A_205 : i32 to index
          %swap3A_217 = tpu.vector_load %arg16[%swap3A_215, %swap3A_216] {strides = array<i32>} : memref<16x1024xf32, #tpu.memory_space<vmem>>, vector<16xf32>,
          tpu.vector_store %arg16[%swap3A_215, %swap3A_216], %add3A_214 {strides = array<i32>} : memref<16x1024xf32, #tpu.memory_space<vmem>>, vector<16xf32>,
          %mul3A_218 = arith.constant 128 : i32
          %mul3A_219 = arith.muli %scan3A_121, %mul3A_218 : i32
          %add3A_220 = arith.constant 96 : i32
          %add3A_221 = arith.addi %mul3A_219, %add3A_220 : i32
          %get3A_222 = arith.index_cast %scan3A_96 : i32 to index
          %get3A_223 = arith.index_cast %add3A_221 : i32 to index
          %get3A_224 = tpu.vector_load %arg14[%get3A_222, %get3A_223] {strides = array<i32>} : memref<16x1024xf32, #tpu.memory_space<vmem>>, vector<16xf32>,
          %mul3A_225 = arith.mulf %broadcast_in_dim3A_102, %get3A_224 : vector<16xf32>
          %get3A_226 = arith.index_cast %scan3A_96 : i32 to index
          %get3A_227 = arith.index_cast %add3A_221 : i32 to index
          %get3A_228 = tpu.vector_load %arg15[%get3A_226, %get3A_227] {strides = array<i32>} : memref<16x1024xf32, #tpu.memory_space<vmem>>, vector<16xf32>,
          %mul3A_229 = arith.mulf %broadcast_in_dim3A_112, %get3A_228 : vector<16xf32>
          %add3A_230 = arith.addf %mul3A_225, %mul3A_229 : vector<16xf32>
          %swap3A_231 = arith.index_cast %scan3A_96 : i32 to index
          %swap3A_232 = arith.index_cast %add3A_221 : i32 to index
          %swap3A_233 = tpu.vector_load %arg16[%swap3A_231, %swap3A_232] {strides = array<i32>} : memref<16x1024xf32, #tpu.memory_space<vmem>>, vector<16xf32>,
          tpu.vector_store %arg16[%swap3A_231, %swap3A_232], %add3A_230 {strides = array<i32>} : memref<16x1024xf32, #tpu.memory_space<vmem>>, vector<16xf32>,
          %mul3A_234 = arith.constant 128 : i32
          %mul3A_235 = arith.muli %scan3A_121, %mul3A_234 : i32
          %add3A_236 = arith.constant 112 : i32
          %add3A_237 = arith.addi %mul3A_235, %add3A_236 : i32
          %get3A_238 = arith.index_cast %scan3A_96 : i32 to index
          %get3A_239 = arith.index_cast %add3A_237 : i32 to index
          %get3A_240 = tpu.vector_load %arg14[%get3A_238, %get3A_239] {strides = array<i32>} : memref<16x1024xf32, #tpu.memory_space<vmem>>, vector<16xf32>,
          %mul3A_241 = arith.mulf %broadcast_in_dim3A_102, %get3A_240 : vector<16xf32>
          %get3A_242 = arith.index_cast %scan3A_96 : i32 to index
          %get3A_243 = arith.index_cast %add3A_237 : i32 to index
          %get3A_244 = tpu.vector_load %arg15[%get3A_242, %get3A_243] {strides = array<i32>} : memref<16x1024xf32, #tpu.memory_space<vmem>>, vector<16xf32>,
          %mul3A_245 = arith.mulf %broadcast_in_dim3A_112, %get3A_244 : vector<16xf32>
          %add3A_246 = arith.addf %mul3A_241, %mul3A_245 : vector<16xf32>
          %swap3A_247 = arith.index_cast %scan3A_96 : i32 to index
          %swap3A_248 = arith.index_cast %add3A_237 : i32 to index
          %swap3A_249 = tpu.vector_load %arg16[%swap3A_247, %swap3A_248] {strides = array<i32>} : memref<16x1024xf32, #tpu.memory_space<vmem>>, vector<16xf32>,
          tpu.vector_store %arg16[%swap3A_247, %swap3A_248], %add3A_246 {strides = array<i32>} : memref<16x1024xf32, #tpu.memory_space<vmem>>, vector<16xf32>,
          %scan3A_250 = arith.constant 0 : i32
          scf.yield %scan3A_250 : i32
        }
        %scan3A_119 = arith.constant 8 : i32
        %scan3A_120 = arith.constant 0 : i32
        scf.yield %scan3A_120 : i32
      }
      %scan3A_86 = arith.constant 16 : i32
      %mul3A_87 = arith.constant 16 : i32
      %mul3A_88 = arith.muli %add3A_62, %mul3A_87 : i32
      %add3A_89 = arith.addi %mul3A_2, %mul3A_88 : i32
      "tpu.region"() ({
        %run_scoped3A = tpu.sem_alloc : memref<!tpu.dma_semaphore, #tpu.memory_space<semaphore_mem>>
        %dma_start3A_96 = arith.constant 0 : i32
        %dma_start3A_97 = tpu.memref_slice %arg7[%add3A_89, %dma_start3A_96] : memref<8192x1024xf32, #tpu.memory_space<hbm>> -> memref<16x1024xf32, #tpu.memory_space<hbm>>
        %dma_start3A_98 = arith.constant 0 : i32
        %dma_start3A_99 = tpu.memref_slice %arg7[%add3A_89, %dma_start3A_98] : memref<8192x1024xf32, #tpu.memory_space<hbm>> -> memref<16x1024xf32, #tpu.memory_space<hbm>>
        tpu.enqueue_dma source(%arg16 : memref<16x1024xf32, #tpu.memory_space<vmem>>) target(%dma_start3A_99 : memref<16x1024xf32, #tpu.memory_space<hbm>>) target_semaphore(%run_scoped3A : memref<!tpu.dma_semaphore, #tpu.memory_space<semaphore_mem>>)
        %dma_wait3A_100 = arith.constant 0 : i32
        %dma_wait3A_101 = tpu.memref_slice %arg7[%add3A_89, %dma_wait3A_100] : memref<8192x1024xf32, #tpu.memory_space<hbm>> -> memref<16x1024xf32, #tpu.memory_space<hbm>>
        %dma_wait3A_102 = arith.constant 0 : i32
        %dma_wait3A_103 = tpu.memref_slice %arg7[%add3A_89, %dma_wait3A_102] : memref<8192x1024xf32, #tpu.memory_space<hbm>> -> memref<16x1024xf32, #tpu.memory_space<hbm>>
        tpu.wait_dma2 semaphore(%run_scoped3A : memref<!tpu.dma_semaphore, #tpu.memory_space<semaphore_mem>>) src(%arg16 : memref<16x1024xf32, #tpu.memory_space<vmem>>) dst(%dma_wait3A_103 : memref<16x1024xf32, #tpu.memory_space<hbm>>)
        tpu.yield
      }) : () -> ()
      %lt3A_90 = arith.constant 7 : i32
      %lt3A_91 = arith.cmpi slt, %scan3A_29, %lt3A_90 : i32
      %convert_element_type3A_92 = arith.extui %lt3A_91 : i1 to i32
      %cond3A_93 = arith.constant 0 : i32
      %cond3A_94 = arith.cmpi ne, %convert_element_type3A_92, %cond3A_93 : i32
      scf.if %cond3A_94 {
        %add3A_96 = arith.constant 3 : i32
        %add3A_97 = arith.addi %mul3A_32, %add3A_96 : i32
        %mul3A_98 = arith.constant 16 : i32
        %mul3A_99 = arith.muli %add3A_97, %mul3A_98 : i32
        %get3A_100 = arith.index_cast %mul3A_99 : i32 to index
        %get3A_101 = tpu.vector_load %arg8[%get3A_100] {strides = array<i32>} : memref<256xi32, #tpu.memory_space<vmem>>, vector<16xi32>,
        %get3A_102 = vector.shape_cast %get3A_101 : vector<16xi32> to vector<16xi32>
        %mul3A_103 = arith.constant 16 : i32
        %mul3A_104 = arith.muli %add3A_97, %mul3A_103 : i32
        %get3A_105 = arith.index_cast %mul3A_104 : i32 to index
        %get3A_106 = tpu.vector_load %arg9[%get3A_105] {strides = array<i32>} : memref<256xi32, #tpu.memory_space<vmem>>, vector<16xi32>,
        %get3A_107 = vector.shape_cast %get3A_106 : vector<16xi32> to vector<16xi32>
        %dma_start3A_108 = arith.constant 0 : i32
        %dma_start3A_109 = arith.constant 0 : i32
        %dma_start3A_110 = tpu.memref_slice %arg2[%dma_start3A_108, %dma_start3A_109] : memref<18432x1024xf32, #tpu.memory_space<hbm>> -> memref<18432x1024xf32, #tpu.memory_space<hbm>>
        tpu.enqueue_indirect_dma source(%dma_start3A_110 : memref<18432x1024xf32, #tpu.memory_space<hbm>>) target(%arg14 : memref<16x1024xf32, #tpu.memory_space<vmem>>) offsets(%get3A_102 : vector<16xi32>) semaphore(%arg18 : memref<!tpu.dma_semaphore, #tpu.memory_space<semaphore_mem>>)
        %dma_start3A_111 = arith.constant 0 : i32
        %dma_start3A_112 = arith.constant 0 : i32
        %dma_start3A_113 = tpu.memref_slice %arg2[%dma_start3A_111, %dma_start3A_112] : memref<18432x1024xf32, #tpu.memory_space<hbm>> -> memref<18432x1024xf32, #tpu.memory_space<hbm>>
        tpu.enqueue_indirect_dma source(%dma_start3A_113 : memref<18432x1024xf32, #tpu.memory_space<hbm>>) target(%arg15 : memref<16x1024xf32, #tpu.memory_space<vmem>>) offsets(%get3A_107 : vector<16xi32>) semaphore(%arg18 : memref<!tpu.dma_semaphore, #tpu.memory_space<semaphore_mem>>)
      } else {
      }
      %scan3A_95 = arith.constant 0 : i32
      scf.yield %scan3A_95 : i32
    }
    %scan3A_28 = arith.constant 8 : i32
    return
  }
}

module attributes {stable_mosaic.version = 14 : i64} {
  func.func @_route_meta_body(%arg0: memref<8192x1024xf32, #tpu.memory_space<vmem>>, %arg1: memref<8x1024xf32, #tpu.memory_space<vmem>>, %arg2: memref<8192xi32, #tpu.memory_space<vmem>>, %arg3: memref<8192xi32, #tpu.memory_space<vmem>>, %arg4: memref<8192xf32, #tpu.memory_space<vmem>>, %arg5: memref<8192xf32, #tpu.memory_space<vmem>>, %arg6: memref<72xi32, #tpu.memory_space<vmem>>, %arg7: memref<72xi32, #tpu.memory_space<vmem>>) attributes {dimension_semantics = [], scalar_prefetch = 0 : i64, scratch_operands = 0 : i64, tpu.core_type = #tpu.core_type<tc>} {
    %get3A = arith.constant 0 : index
    %get3A_0 = arith.constant 0 : index
    %get3A_1 = vector.load %arg1[%get3A, %get3A_0] : memref<8x1024xf32, #tpu.memory_space<vmem>>, vector<8x1024xf32>
    %get3A_2 = arith.constant 0 : index
    %get3A_3 = arith.constant 0 : index
    %get3A_4 = vector.load %arg0[%get3A_2, %get3A_3] : memref<8192x1024xf32, #tpu.memory_space<vmem>>, vector<8192x1024xf32>
    %dot_general3A = arith.constant dense<0.000000e+00> : vector<8x8192xf32>
    %dot_general3A_5 = tpu.matmul %get3A_1, %get3A_4, %dot_general3A {dimension_numbers = #tpu.dot_dimension_numbers<[1], [1], [0], [0], [0, 0, 1, 0], [], []>, transpose_lhs_hint = false} : vector<8x1024xf32>, vector<8192x1024xf32>, vector<8x8192xf32> -> vector<8x8192xf32>
    %iota3A = tpu.iota {dimensions = array<i32: 0>} : vector<8x8192xi32>
    %reduce_max3A = arith.constant dense<0xFF800000> : vector<8192xf32>
    %reduce_max3A_6 = vector.multi_reduction <maximumf>, %dot_general3A_5, %reduce_max3A [0] : vector<8x8192xf32> to vector<8192xf32>
    %broadcast_in_dim3A = vector.shape_cast %reduce_max3A_6 : vector<8192xf32> to vector<1x8192xf32>
    %eq3A = vector.broadcast %broadcast_in_dim3A : vector<1x8192xf32> to vector<8x8192xf32>
    %eq3A_7 = arith.cmpf oeq, %dot_general3A_5, %eq3A : vector<8x8192xf32>
    %jit3A = arith.constant 8 : i32
    %broadcast_in_dim3A_8 = vector.broadcast %jit3A : i32 to vector<8x8192xi32>
    %select_n3A = arith.select %eq3A_7, %iota3A, %broadcast_in_dim3A_8 : vector<8x8192xi1>, vector<8x8192xi32>
    %reduce_min3A = arith.constant dense<2147483647> : vector<8192xi32>
    %reduce_min3A_9 = vector.multi_reduction <minsi>, %select_n3A, %reduce_min3A [0] : vector<8x8192xi32> to vector<8192xi32>
    %broadcast_in_dim3A_10 = vector.shape_cast %reduce_min3A_9 : vector<8192xi32> to vector<1x8192xi32>
    %eq3A_11 = vector.broadcast %broadcast_in_dim3A_10 : vector<1x8192xi32> to vector<8x8192xi32>
    %eq3A_12 = arith.cmpi eq, %iota3A, %eq3A_11 : vector<8x8192xi32>
    %jit3A_13 = arith.constant 0xFF800000 : f32
    %broadcast_in_dim3A_14 = vector.broadcast %jit3A_13 : f32 to vector<8x8192xf32>
    %select_n3A_15 = arith.select %eq3A_12, %broadcast_in_dim3A_14, %dot_general3A_5 : vector<8x8192xi1>, vector<8x8192xf32>
    %reduce_max3A_16 = arith.constant dense<0xFF800000> : vector<8192xf32>
    %reduce_max3A_17 = vector.multi_reduction <maximumf>, %select_n3A_15, %reduce_max3A_16 [0] : vector<8x8192xf32> to vector<8192xf32>
    %broadcast_in_dim3A_18 = vector.shape_cast %reduce_max3A_17 : vector<8192xf32> to vector<1x8192xf32>
    %eq3A_19 = vector.broadcast %broadcast_in_dim3A_18 : vector<1x8192xf32> to vector<8x8192xf32>
    %eq3A_20 = arith.cmpf oeq, %select_n3A_15, %eq3A_19 : vector<8x8192xf32>
    %jit3A_21 = arith.constant 8 : i32
    %broadcast_in_dim3A_22 = vector.broadcast %jit3A_21 : i32 to vector<8x8192xi32>
    %select_n3A_23 = arith.select %eq3A_20, %iota3A, %broadcast_in_dim3A_22 : vector<8x8192xi1>, vector<8x8192xi32>
    %reduce_min3A_24 = arith.constant dense<2147483647> : vector<8192xi32>
    %reduce_min3A_25 = vector.multi_reduction <minsi>, %select_n3A_23, %reduce_min3A_24 [0] : vector<8x8192xi32> to vector<8192xi32>
    %broadcast_in_dim3A_26 = vector.shape_cast %reduce_min3A_25 : vector<8192xi32> to vector<1x8192xi32>
    %eq3A_27 = vector.broadcast %broadcast_in_dim3A_26 : vector<1x8192xi32> to vector<8x8192xi32>
    %eq3A_28 = arith.cmpi eq, %iota3A, %eq3A_27 : vector<8x8192xi32>
    %sub3A = arith.subf %broadcast_in_dim3A_18, %broadcast_in_dim3A : vector<1x8192xf32>
    %exp3A = math.exp %sub3A : vector<1x8192xf32>
    %add3A = arith.constant 1.000000e+00 : f32
    %add3A_29 = vector.broadcast %add3A : f32 to vector<1x8192xf32>
    %add3A_30 = arith.addf %add3A_29, %exp3A : vector<1x8192xf32>
    %div3A = arith.constant 1.000000e+00 : f32
    %div3A_31 = vector.broadcast %div3A : f32 to vector<1x8192xf32>
    %div3A_32 = arith.divf %div3A_31, %add3A_30 : vector<1x8192xf32>
    %squeeze3A = vector.shape_cast %div3A_32 : vector<1x8192xf32> to vector<8192xf32>
    %swap3A = arith.constant 0 : index
    %swap3A_33 = vector.load %arg4[%swap3A] : memref<8192xf32, #tpu.memory_space<vmem>>, vector<8192xf32>
    tpu.vector_store %arg4[%swap3A], %squeeze3A {strides = array<i32>} : memref<8192xf32, #tpu.memory_space<vmem>>, vector<8192xf32>,
    %sub3A_34 = arith.constant 1.000000e+00 : f32
    %sub3A_35 = vector.broadcast %sub3A_34 : f32 to vector<1x8192xf32>
    %sub3A_36 = arith.subf %sub3A_35, %div3A_32 : vector<1x8192xf32>
    %squeeze3A_37 = vector.shape_cast %sub3A_36 : vector<1x8192xf32> to vector<8192xf32>
    %swap3A_38 = arith.constant 0 : index
    %swap3A_39 = vector.load %arg5[%swap3A_38] : memref<8192xf32, #tpu.memory_space<vmem>>, vector<8192xf32>
    tpu.vector_store %arg5[%swap3A_38], %squeeze3A_37 {strides = array<i32>} : memref<8192xf32, #tpu.memory_space<vmem>>, vector<8192xf32>,
    %convert_element_type3A = arith.extui %eq3A_12 : vector<8x8192xi1> to vector<8x8192xi32>
    %convert_element_type3A_40 = arith.extui %eq3A_28 : vector<8x8192xi1> to vector<8x8192xi32>
    %add3A_41 = arith.addi %convert_element_type3A, %convert_element_type3A_40 : vector<8x8192xi32>
    %broadcast_in_dim3A_42 = arith.constant 0 : i32
    %broadcast_in_dim3A_43 = vector.broadcast %broadcast_in_dim3A_42 : i32 to vector<8x1xi32>
    %slice3A = vector.extract_strided_slice %add3A_41 {offsets = [0, 0], sizes = [8, 8191], strides = [1, 1]} : vector<8x8192xi32> to vector<8x8191xi32>
    %concatenate3A = tpu.concatenate %broadcast_in_dim3A_43, %slice3A in 1 : vector<8x1xi32>, vector<8x8191xi32> -> vector<8x8192xi32>
    %add3A_44 = arith.addi %add3A_41, %concatenate3A : vector<8x8192xi32>
    %broadcast_in_dim3A_45 = arith.constant 0 : i32
    %broadcast_in_dim3A_46 = vector.broadcast %broadcast_in_dim3A_45 : i32 to vector<8x2xi32>
    %slice3A_47 = vector.extract_strided_slice %add3A_44 {offsets = [0, 0], sizes = [8, 8190], strides = [1, 1]} : vector<8x8192xi32> to vector<8x8190xi32>
    %concatenate3A_48 = tpu.concatenate %broadcast_in_dim3A_46, %slice3A_47 in 1 : vector<8x2xi32>, vector<8x8190xi32> -> vector<8x8192xi32>
    %add3A_49 = arith.addi %add3A_44, %concatenate3A_48 : vector<8x8192xi32>
    %broadcast_in_dim3A_50 = arith.constant 0 : i32
    %broadcast_in_dim3A_51 = vector.broadcast %broadcast_in_dim3A_50 : i32 to vector<8x4xi32>
    %slice3A_52 = vector.extract_strided_slice %add3A_49 {offsets = [0, 0], sizes = [8, 8188], strides = [1, 1]} : vector<8x8192xi32> to vector<8x8188xi32>
    %concatenate3A_53 = tpu.concatenate %broadcast_in_dim3A_51, %slice3A_52 in 1 : vector<8x4xi32>, vector<8x8188xi32> -> vector<8x8192xi32>
    %add3A_54 = arith.addi %add3A_49, %concatenate3A_53 : vector<8x8192xi32>
    %broadcast_in_dim3A_55 = arith.constant 0 : i32
    %broadcast_in_dim3A_56 = vector.broadcast %broadcast_in_dim3A_55 : i32 to vector<8x8xi32>
    %slice3A_57 = vector.extract_strided_slice %add3A_54 {offsets = [0, 0], sizes = [8, 8184], strides = [1, 1]} : vector<8x8192xi32> to vector<8x8184xi32>
    %concatenate3A_58 = tpu.concatenate %broadcast_in_dim3A_56, %slice3A_57 in 1 : vector<8x8xi32>, vector<8x8184xi32> -> vector<8x8192xi32>
    %add3A_59 = arith.addi %add3A_54, %concatenate3A_58 : vector<8x8192xi32>
    %broadcast_in_dim3A_60 = arith.constant 0 : i32
    %broadcast_in_dim3A_61 = vector.broadcast %broadcast_in_dim3A_60 : i32 to vector<8x16xi32>
    %slice3A_62 = vector.extract_strided_slice %add3A_59 {offsets = [0, 0], sizes = [8, 8176], strides = [1, 1]} : vector<8x8192xi32> to vector<8x8176xi32>
    %concatenate3A_63 = tpu.concatenate %broadcast_in_dim3A_61, %slice3A_62 in 1 : vector<8x16xi32>, vector<8x8176xi32> -> vector<8x8192xi32>
    %add3A_64 = arith.addi %add3A_59, %concatenate3A_63 : vector<8x8192xi32>
    %broadcast_in_dim3A_65 = arith.constant 0 : i32
    %broadcast_in_dim3A_66 = vector.broadcast %broadcast_in_dim3A_65 : i32 to vector<8x32xi32>
    %slice3A_67 = vector.extract_strided_slice %add3A_64 {offsets = [0, 0], sizes = [8, 8160], strides = [1, 1]} : vector<8x8192xi32> to vector<8x8160xi32>
    %concatenate3A_68 = tpu.concatenate %broadcast_in_dim3A_66, %slice3A_67 in 1 : vector<8x32xi32>, vector<8x8160xi32> -> vector<8x8192xi32>
    %add3A_69 = arith.addi %add3A_64, %concatenate3A_68 : vector<8x8192xi32>
    %broadcast_in_dim3A_70 = arith.constant 0 : i32
    %broadcast_in_dim3A_71 = vector.broadcast %broadcast_in_dim3A_70 : i32 to vector<8x64xi32>
    %slice3A_72 = vector.extract_strided_slice %add3A_69 {offsets = [0, 0], sizes = [8, 8128], strides = [1, 1]} : vector<8x8192xi32> to vector<8x8128xi32>
    %concatenate3A_73 = tpu.concatenate %broadcast_in_dim3A_71, %slice3A_72 in 1 : vector<8x64xi32>, vector<8x8128xi32> -> vector<8x8192xi32>
    %add3A_74 = arith.addi %add3A_69, %concatenate3A_73 : vector<8x8192xi32>
    %broadcast_in_dim3A_75 = arith.constant 0 : i32
    %broadcast_in_dim3A_76 = vector.broadcast %broadcast_in_dim3A_75 : i32 to vector<8x128xi32>
    %slice3A_77 = vector.extract_strided_slice %add3A_74 {offsets = [0, 0], sizes = [8, 8064], strides = [1, 1]} : vector<8x8192xi32> to vector<8x8064xi32>
    %concatenate3A_78 = tpu.concatenate %broadcast_in_dim3A_76, %slice3A_77 in 1 : vector<8x128xi32>, vector<8x8064xi32> -> vector<8x8192xi32>
    %add3A_79 = arith.addi %add3A_74, %concatenate3A_78 : vector<8x8192xi32>
    %broadcast_in_dim3A_80 = arith.constant 0 : i32
    %broadcast_in_dim3A_81 = vector.broadcast %broadcast_in_dim3A_80 : i32 to vector<8x256xi32>
    %slice3A_82 = vector.extract_strided_slice %add3A_79 {offsets = [0, 0], sizes = [8, 7936], strides = [1, 1]} : vector<8x8192xi32> to vector<8x7936xi32>
    %concatenate3A_83 = tpu.concatenate %broadcast_in_dim3A_81, %slice3A_82 in 1 : vector<8x256xi32>, vector<8x7936xi32> -> vector<8x8192xi32>
    %add3A_84 = arith.addi %add3A_79, %concatenate3A_83 : vector<8x8192xi32>
    %broadcast_in_dim3A_85 = arith.constant 0 : i32
    %broadcast_in_dim3A_86 = vector.broadcast %broadcast_in_dim3A_85 : i32 to vector<8x512xi32>
    %slice3A_87 = vector.extract_strided_slice %add3A_84 {offsets = [0, 0], sizes = [8, 7680], strides = [1, 1]} : vector<8x8192xi32> to vector<8x7680xi32>
    %concatenate3A_88 = tpu.concatenate %broadcast_in_dim3A_86, %slice3A_87 in 1 : vector<8x512xi32>, vector<8x7680xi32> -> vector<8x8192xi32>
    %add3A_89 = arith.addi %add3A_84, %concatenate3A_88 : vector<8x8192xi32>
    %broadcast_in_dim3A_90 = arith.constant 0 : i32
    %broadcast_in_dim3A_91 = vector.broadcast %broadcast_in_dim3A_90 : i32 to vector<8x1024xi32>
    %slice3A_92 = vector.extract_strided_slice %add3A_89 {offsets = [0, 0], sizes = [8, 7168], strides = [1, 1]} : vector<8x8192xi32> to vector<8x7168xi32>
    %concatenate3A_93 = tpu.concatenate %broadcast_in_dim3A_91, %slice3A_92 in 1 : vector<8x1024xi32>, vector<8x7168xi32> -> vector<8x8192xi32>
    %add3A_94 = arith.addi %add3A_89, %concatenate3A_93 : vector<8x8192xi32>
    %broadcast_in_dim3A_95 = arith.constant 0 : i32
    %broadcast_in_dim3A_96 = vector.broadcast %broadcast_in_dim3A_95 : i32 to vector<8x2048xi32>
    %slice3A_97 = vector.extract_strided_slice %add3A_94 {offsets = [0, 0], sizes = [8, 6144], strides = [1, 1]} : vector<8x8192xi32> to vector<8x6144xi32>
    %concatenate3A_98 = tpu.concatenate %broadcast_in_dim3A_96, %slice3A_97 in 1 : vector<8x2048xi32>, vector<8x6144xi32> -> vector<8x8192xi32>
    %add3A_99 = arith.addi %add3A_94, %concatenate3A_98 : vector<8x8192xi32>
    %broadcast_in_dim3A_100 = arith.constant 0 : i32
    %broadcast_in_dim3A_101 = vector.broadcast %broadcast_in_dim3A_100 : i32 to vector<8x4096xi32>
    %slice3A_102 = vector.extract_strided_slice %add3A_99 {offsets = [0, 0], sizes = [8, 4096], strides = [1, 1]} : vector<8x8192xi32> to vector<8x4096xi32>
    %concatenate3A_103 = tpu.concatenate %broadcast_in_dim3A_101, %slice3A_102 in 1 : vector<8x4096xi32>, vector<8x4096xi32> -> vector<8x8192xi32>
    %add3A_104 = arith.addi %add3A_99, %concatenate3A_103 : vector<8x8192xi32>
    %sub3A_105 = arith.subi %add3A_104, %add3A_41 : vector<8x8192xi32>
    %slice3A_106 = vector.extract_strided_slice %add3A_104 {offsets = [0, 8191], sizes = [8, 1], strides = [1, 1]} : vector<8x8192xi32> to vector<8x1xi32>
    %add3A_107 = arith.constant 255 : i32
    %add3A_108 = vector.broadcast %add3A_107 : i32 to vector<8x1xi32>
    %add3A_109 = arith.addi %slice3A_106, %add3A_108 : vector<8x1xi32>
    %jit3A_110 = arith.constant 256 : i32
    %div3A_111 = vector.broadcast %jit3A_110 : i32 to vector<8x1xi32>
    %div3A_112 = arith.divsi %add3A_109, %div3A_111 : vector<8x1xi32>
    %sign3A = arith.constant 0 : i32
    %sign3A_113 = vector.broadcast %sign3A : i32 to vector<8x1xi32>
    %sign3A_114 = arith.cmpi sgt, %add3A_109, %sign3A_113 : vector<8x1xi32>
    %sign3A_115 = arith.extui %sign3A_114 : vector<8x1xi1> to vector<8x1xi32>
    %sign3A_116 = arith.constant 0 : i32
    %sign3A_117 = vector.broadcast %sign3A_116 : i32 to vector<8x1xi32>
    %sign3A_118 = arith.cmpi slt, %add3A_109, %sign3A_117 : vector<8x1xi32>
    %sign3A_119 = arith.extui %sign3A_118 : vector<8x1xi1> to vector<8x1xi32>
    %sign3A_120 = arith.subi %sign3A_115, %sign3A_119 : vector<8x1xi32>
    %sign3A_121 = arith.constant 0 : i32
    %sign3A_122 = arith.cmpi sgt, %jit3A_110, %sign3A_121 : i32
    %sign3A_123 = arith.extui %sign3A_122 : i1 to i32
    %sign3A_124 = arith.constant 0 : i32
    %sign3A_125 = arith.cmpi slt, %jit3A_110, %sign3A_124 : i32
    %sign3A_126 = arith.extui %sign3A_125 : i1 to i32
    %sign3A_127 = arith.subi %sign3A_123, %sign3A_126 : i32
    %ne3A = vector.broadcast %sign3A_127 : i32 to vector<8x1xi32>
    %ne3A_128 = arith.cmpi ne, %sign3A_120, %ne3A : vector<8x1xi32>
    %rem3A = vector.broadcast %jit3A_110 : i32 to vector<8x1xi32>
    %rem3A_129 = arith.remsi %add3A_109, %rem3A : vector<8x1xi32>
    %ne3A_130 = arith.constant 0 : i32
    %ne3A_131 = vector.broadcast %ne3A_130 : i32 to vector<8x1xi32>
    %ne3A_132 = arith.cmpi ne, %rem3A_129, %ne3A_131 : vector<8x1xi32>
    %and3A = arith.andi %ne3A_128, %ne3A_132 : vector<8x1xi1>
    %sub3A_133 = arith.constant 1 : i32
    %sub3A_134 = vector.broadcast %sub3A_133 : i32 to vector<8x1xi32>
    %sub3A_135 = arith.subi %div3A_112, %sub3A_134 : vector<8x1xi32>
    %select_n3A_136 = arith.select %and3A, %sub3A_135, %div3A_112 : vector<8x1xi1>, vector<8x1xi32>
    %mul3A = arith.constant 256 : i32
    %mul3A_137 = vector.broadcast %mul3A : i32 to vector<8x1xi32>
    %mul3A_138 = arith.muli %select_n3A_136, %mul3A_137 : vector<8x1xi32>
    %broadcast_in_dim3A_139 = arith.constant 0 : i32
    %broadcast_in_dim3A_140 = vector.broadcast %broadcast_in_dim3A_139 : i32 to vector<1x1xi32>
    %slice3A_141 = vector.extract_strided_slice %mul3A_138 {offsets = [0, 0], sizes = [7, 1], strides = [1, 1]} : vector<8x1xi32> to vector<7x1xi32>
    %concatenate3A_142 = tpu.concatenate %broadcast_in_dim3A_140, %slice3A_141 in 0 : vector<1x1xi32>, vector<7x1xi32> -> vector<8x1xi32>
    %add3A_143 = arith.addi %mul3A_138, %concatenate3A_142 : vector<8x1xi32>
    %broadcast_in_dim3A_144 = arith.constant 0 : i32
    %broadcast_in_dim3A_145 = vector.broadcast %broadcast_in_dim3A_144 : i32 to vector<2x1xi32>
    %slice3A_146 = vector.extract_strided_slice %add3A_143 {offsets = [0, 0], sizes = [6, 1], strides = [1, 1]} : vector<8x1xi32> to vector<6x1xi32>
    %concatenate3A_147 = tpu.concatenate %broadcast_in_dim3A_145, %slice3A_146 in 0 : vector<2x1xi32>, vector<6x1xi32> -> vector<8x1xi32>
    %add3A_148 = arith.addi %add3A_143, %concatenate3A_147 : vector<8x1xi32>
    %broadcast_in_dim3A_149 = arith.constant 0 : i32
    %broadcast_in_dim3A_150 = vector.broadcast %broadcast_in_dim3A_149 : i32 to vector<4x1xi32>
    %slice3A_151 = vector.extract_strided_slice %add3A_148 {offsets = [0, 0], sizes = [4, 1], strides = [1, 1]} : vector<8x1xi32> to vector<4x1xi32>
    %concatenate3A_152 = tpu.concatenate %broadcast_in_dim3A_150, %slice3A_151 in 0 : vector<4x1xi32>, vector<4x1xi32> -> vector<8x1xi32>
    %add3A_153 = arith.addi %add3A_148, %concatenate3A_152 : vector<8x1xi32>
    %sub3A_154 = arith.subi %add3A_153, %mul3A_138 : vector<8x1xi32>
    %add3A_155 = vector.broadcast %sub3A_154 : vector<8x1xi32> to vector<8x8192xi32>
    %add3A_156 = arith.addi %sub3A_105, %add3A_155 : vector<8x8192xi32>
    %jit3A_157 = arith.constant 0 : i32
    %broadcast_in_dim3A_158 = vector.broadcast %jit3A_157 : i32 to vector<8x8192xi32>
    %select_n3A_159 = arith.select %eq3A_12, %add3A_156, %broadcast_in_dim3A_158 : vector<8x8192xi1>, vector<8x8192xi32>
    %reduce_sum3A = arith.constant dense<0> : vector<8192xi32>
    %reduce_sum3A_160 = vector.multi_reduction <add>, %select_n3A_159, %reduce_sum3A [0] : vector<8x8192xi32> to vector<8192xi32>
    %swap3A_161 = arith.constant 0 : index
    %swap3A_162 = vector.load %arg2[%swap3A_161] : memref<8192xi32, #tpu.memory_space<vmem>>, vector<8192xi32>
    tpu.vector_store %arg2[%swap3A_161], %reduce_sum3A_160 {strides = array<i32>} : memref<8192xi32, #tpu.memory_space<vmem>>, vector<8192xi32>,
    %add3A_163 = vector.broadcast %sub3A_154 : vector<8x1xi32> to vector<8x8192xi32>
    %add3A_164 = arith.addi %sub3A_105, %add3A_163 : vector<8x8192xi32>
    %jit3A_165 = arith.constant 0 : i32
    %broadcast_in_dim3A_166 = vector.broadcast %jit3A_165 : i32 to vector<8x8192xi32>
    %select_n3A_167 = arith.select %eq3A_28, %add3A_164, %broadcast_in_dim3A_166 : vector<8x8192xi1>, vector<8x8192xi32>
    %reduce_sum3A_168 = arith.constant dense<0> : vector<8192xi32>
    %reduce_sum3A_169 = vector.multi_reduction <add>, %select_n3A_167, %reduce_sum3A_168 [0] : vector<8x8192xi32> to vector<8192xi32>
    %swap3A_170 = arith.constant 0 : index
    %swap3A_171 = vector.load %arg3[%swap3A_170] : memref<8192xi32, #tpu.memory_space<vmem>>, vector<8192xi32>
    tpu.vector_store %arg3[%swap3A_170], %reduce_sum3A_169 {strides = array<i32>} : memref<8192xi32, #tpu.memory_space<vmem>>, vector<8192xi32>,
    %iota3A_172 = tpu.iota {dimensions = array<i32: 1>} : vector<1x72xi32>
    %mul3A_173 = arith.constant 256 : i32
    %mul3A_174 = vector.broadcast %mul3A_173 : i32 to vector<1x72xi32>
    %mul3A_175 = arith.muli %iota3A_172, %mul3A_174 : vector<1x72xi32>
    %ge3A = vector.broadcast %mul3A_175 : vector<1x72xi32> to vector<8x72xi32>
    %ge3A_176 = vector.broadcast %sub3A_154 : vector<8x1xi32> to vector<8x72xi32>
    %ge3A_177 = arith.cmpi sge, %ge3A, %ge3A_176 : vector<8x72xi32>
    %convert_element_type3A_178 = arith.extui %ge3A_177 : vector<8x72xi1> to vector<8x72xi32>
    %reduce_sum3A_179 = arith.constant dense<0> : vector<72xi32>
    %reduce_sum3A_180 = vector.multi_reduction <add>, %convert_element_type3A_178, %reduce_sum3A_179 [0] : vector<8x72xi32> to vector<72xi32>
    %sub3A_181 = arith.constant 1 : i32
    %sub3A_182 = vector.broadcast %sub3A_181 : i32 to vector<72xi32>
    %sub3A_183 = arith.subi %reduce_sum3A_180, %sub3A_182 : vector<72xi32>
    %swap3A_184 = arith.constant 0 : index
    %swap3A_185 = vector.load %arg6[%swap3A_184] : memref<72xi32, #tpu.memory_space<vmem>>, vector<72xi32>
    tpu.vector_store %arg6[%swap3A_184], %sub3A_183 {strides = array<i32>} : memref<72xi32, #tpu.memory_space<vmem>>, vector<72xi32>,
    %ge3A_186 = vector.broadcast %mul3A_175 : vector<1x72xi32> to vector<8x72xi32>
    %ge3A_187 = vector.broadcast %sub3A_154 : vector<8x1xi32> to vector<8x72xi32>
    %ge3A_188 = arith.cmpi sge, %ge3A_186, %ge3A_187 : vector<8x72xi32>
    %add3A_189 = arith.addi %sub3A_154, %slice3A_106 : vector<8x1xi32>
    %lt3A = vector.broadcast %mul3A_175 : vector<1x72xi32> to vector<8x72xi32>
    %lt3A_190 = vector.broadcast %add3A_189 : vector<8x1xi32> to vector<8x72xi32>
    %lt3A_191 = arith.cmpi slt, %lt3A, %lt3A_190 : vector<8x72xi32>
    %and3A_192 = arith.andi %ge3A_188, %lt3A_191 : vector<8x72xi1>
    %convert_element_type3A_193 = arith.extui %and3A_192 : vector<8x72xi1> to vector<8x72xi32>
    %reduce_sum3A_194 = arith.constant dense<0> : vector<72xi32>
    %reduce_sum3A_195 = vector.multi_reduction <add>, %convert_element_type3A_193, %reduce_sum3A_194 [0] : vector<8x72xi32> to vector<72xi32>
    %swap3A_196 = arith.constant 0 : index
    %swap3A_197 = vector.load %arg7[%swap3A_196] : memref<72xi32, #tpu.memory_space<vmem>>, vector<72xi32>
    tpu.vector_store %arg7[%swap3A_196], %reduce_sum3A_195 {strides = array<i32>} : memref<72xi32, #tpu.memory_space<vmem>>, vector<72xi32>,
    return
  }
}

module attributes {stable_mosaic.version = 14 : i64} {
  func.func @_gmm_body(%arg0: i32, %arg1: memref<72xi32, #tpu.memory_space<smem>>, %arg2: memref<72xi32, #tpu.memory_space<smem>>, %arg3: memref<256x1024xf32, #tpu.memory_space<vmem>>, %arg4: memref<1x4096x1024xbf16, #tpu.memory_space<vmem>>, %arg5: memref<1x1024x4096xbf16, #tpu.memory_space<vmem>>, %arg6: memref<256x1024xf32, #tpu.memory_space<vmem>>) attributes {dimension_semantics = [#tpu.dimension_semantics<arbitrary>], iteration_bounds = array<i64: 72>, scalar_prefetch = 2 : i64, scratch_operands = 0 : i64, tpu.core_type = #tpu.core_type<tc>, window_params = [{transform_indices = @transform_0, window_bounds = array<i64: 256, 1024>}, {transform_indices = @transform_1, window_bounds = array<i64: 1, 4096, 1024>}, {transform_indices = @transform_2, window_bounds = array<i64: 1, 1024, 4096>}, {transform_indices = @transform_3, window_bounds = array<i64: 256, 1024>}]} {
    %get3A = arith.index_cast %arg0 : i32 to index
    %get3A_0 = memref.load %arg2[%get3A] : memref<72xi32, #tpu.memory_space<smem>>
    %gt3A = arith.constant 0 : i32
    %gt3A_1 = arith.cmpi sgt, %get3A_0, %gt3A : i32
    %convert_element_type3A = arith.extui %gt3A_1 : i1 to i32
    %cond3A = arith.constant 0 : i32
    %cond3A_2 = arith.cmpi ne, %convert_element_type3A, %cond3A : i32
    scf.if %cond3A_2 {
      %get3A_3 = arith.constant 0 : index
      %get3A_4 = arith.constant 0 : index
      %get3A_5 = vector.load %arg3[%get3A_3, %get3A_4] : memref<256x1024xf32, #tpu.memory_space<vmem>>, vector<256x1024xf32>
      %convert_element_type3A_6 = arith.truncf %get3A_5 : vector<256x1024xf32> to vector<256x1024xbf16>
      %get3A_7 = arith.constant 0 : index
      %get3A_8 = arith.constant 0 : index
      %get3A_9 = arith.constant 0 : index
      %get3A_10 = vector.load %arg4[%get3A_7, %get3A_8, %get3A_9] : memref<1x4096x1024xbf16, #tpu.memory_space<vmem>>, vector<1x4096x1024xbf16>
      %get3A_11 = vector.shape_cast %get3A_10 : vector<1x4096x1024xbf16> to vector<4096x1024xbf16>
      %dot_general3A = arith.constant dense<0.000000e+00> : vector<256x4096xf32>
      %dot_general3A_12 = tpu.matmul %convert_element_type3A_6, %get3A_11, %dot_general3A {dimension_numbers = #tpu.dot_dimension_numbers<[1], [1], [0], [0], [0, 0, 1, 0], [], []>, transpose_lhs_hint = false} : vector<256x1024xbf16>, vector<4096x1024xbf16>, vector<256x4096xf32> -> vector<256x4096xf32>
      %convert_element_type3A_13 = arith.truncf %dot_general3A_12 : vector<256x4096xf32> to vector<256x4096xbf16>
      %max3A = arith.constant 0.000000e+00 : bf16
      %max3A_14 = vector.broadcast %max3A : bf16 to vector<256x4096xbf16>
      %max3A_15 = arith.maximumf %convert_element_type3A_13, %max3A_14 : vector<256x4096xbf16>
      %get3A_16 = arith.constant 0 : index
      %get3A_17 = arith.constant 0 : index
      %get3A_18 = arith.constant 0 : index
      %get3A_19 = vector.load %arg5[%get3A_16, %get3A_17, %get3A_18] : memref<1x1024x4096xbf16, #tpu.memory_space<vmem>>, vector<1x1024x4096xbf16>
      %get3A_20 = vector.shape_cast %get3A_19 : vector<1x1024x4096xbf16> to vector<1024x4096xbf16>
      %dot_general3A_21 = arith.constant dense<0.000000e+00> : vector<256x1024xf32>
      %dot_general3A_22 = tpu.matmul %max3A_15, %get3A_20, %dot_general3A_21 {dimension_numbers = #tpu.dot_dimension_numbers<[1], [1], [0], [0], [0, 0, 1, 0], [], []>, transpose_lhs_hint = false} : vector<256x4096xbf16>, vector<1024x4096xbf16>, vector<256x1024xf32> -> vector<256x1024xf32>
      %swap3A = arith.constant 0 : index
      %swap3A_23 = arith.constant 0 : index
      %swap3A_24 = vector.load %arg6[%swap3A, %swap3A_23] : memref<256x1024xf32, #tpu.memory_space<vmem>>, vector<256x1024xf32>
      tpu.vector_store %arg6[%swap3A, %swap3A_23], %dot_general3A_22 {strides = array<i32>} : memref<256x1024xf32, #tpu.memory_space<vmem>>, vector<256x1024xf32>,
    } else {
    }
    return
  }
  func.func @transform_0(%arg0: i32, %arg1: memref<72xi32, #tpu.memory_space<smem>>, %arg2: memref<72xi32, #tpu.memory_space<smem>>) -> (i32, i32) {
    %c0_i32 = arith.constant 0 : i32
    %c0_i32_0 = arith.constant 0 : i32
    return %arg0, %c0_i32 : i32, i32
  }
  func.func @transform_1(%arg0: i32, %arg1: memref<72xi32, #tpu.memory_space<smem>>, %arg2: memref<72xi32, #tpu.memory_space<smem>>) -> (i32, i32, i32) {
    %get3A = arith.index_cast %arg0 : i32 to index
    %get3A_0 = memref.load %arg1[%get3A] : memref<72xi32, #tpu.memory_space<smem>>
    %c0_i32 = arith.constant 0 : i32
    %c0_i32_1 = arith.constant 0 : i32
    %c0_i32_2 = arith.constant 0 : i32
    return %get3A_0, %c0_i32, %c0_i32_1 : i32, i32, i32
  }
  func.func @transform_2(%arg0: i32, %arg1: memref<72xi32, #tpu.memory_space<smem>>, %arg2: memref<72xi32, #tpu.memory_space<smem>>) -> (i32, i32, i32) {
    %get3A = arith.index_cast %arg0 : i32 to index
    %get3A_0 = memref.load %arg1[%get3A] : memref<72xi32, #tpu.memory_space<smem>>
    %c0_i32 = arith.constant 0 : i32
    %c0_i32_1 = arith.constant 0 : i32
    %c0_i32_2 = arith.constant 0 : i32
    return %get3A_0, %c0_i32, %c0_i32_1 : i32, i32, i32
  }
  func.func @transform_3(%arg0: i32, %arg1: memref<72xi32, #tpu.memory_space<smem>>, %arg2: memref<72xi32, #tpu.memory_space<smem>>) -> (i32, i32) {
    %c0_i32 = arith.constant 0 : i32
    %c0_i32_0 = arith.constant 0 : i32
    return %arg0, %c0_i32 : i32, i32
  }
}

</mosaic_0001>

<sc_bundles>
// kernel: kernel.6.cloned.1.call-start
scs
__scs_entry_jumppad:
0x0: {  	(pc) =	sbr.rel $0x88, $3  }
0x1: {  	(tag) =	ssettag $0x0;
	lr =	simm.s32 $0x1  }
0x2: {  	[smem:$0x3F9D] =	sst lr;
	_ =	strace $0xD0000000  }
0x3: {  	_ = 	snop  }
0x4: {  	_ = 	snop  }
0x5: {  	_ = 	snop  }
0x6: {  	_ = 	snop  }
0x7: {  	_ = 	snop  }
__scs_overlays_trampoline_lowered:
0x8: {  	[smem:$0x3FAC] =	sst s0  }
0x9: {  	[smem:$0x3FAD] =	sst s1  }
0xa: {  	[smem:$0x3FAE] =	sst s2  }
0xb: {  	[smem:$0x3FAF] =	sst s3  }
0xc: {  	[smem:$0x3FB0] =	sst s4  }
0xd: {  	[smem:$0x3FB1] =	sst s5  }
0xe: {  	[smem:$0x3FB2] =	sst s6  }
0xf: {  	[smem:$0x3FB3] =	sst s7  }
0x10: {  	[smem:$0x3FB4] =	sst s8  }
0x11: {  	[smem:$0x3FB5] =	sst s9;
	s0 =	simm.s32 @!p0 $0x0  }
0x12: {  	s1 =	sld [smem:$0x3F9B];
	s0 =	simm.s32 @p0 $0x1  }
0x13: {  	[smem:$0x3FB6] =	sst s0;
	s0 =	simm.s32 @!p1 $0x0  }
0x14: {  	s2 =	sld [smem:$0x3F9A];
	s0 =	simm.s32 @p1 $0x1  }
0x15: {  	[smem:$0x3FB7] =	sst s0;
	s0 =	simm.s32 @!p2 $0x0  }
0x16: {  	s3 =	sld [smem:$0x3FDB];
	s0 =	simm.s32 @p2 $0x1  }
0x17: {  	s4 =	simm.s32 $0x1BF5;
	[smem:$0x3FB9] =	sst s0  }
0x18: {  	s0 =	sld [smem:$0x3F9C];
	_ =	swait.ge [sflag:s4], $0x0  }
0x19: {  	s7 =	sld [smem:$0x3F9D]  }
0x1a: {  	s8 =	sadd.s32 $0xFFFFE003, lr  }
0x1b: {  	s9 =	sadd.s32 $0xFFFFFEF7, lr;
	s5 =	simm.s32 $0xFFFFFFFF;
	p2 =	slt.u32 s8, $0xFFFFF086  }
0x1c: {  	p1 =	slt.u32 s9, $0xF7A;
	s5 =	simm.s32 @!p2 $0x0  }
0x1d: {  	s5 =	simm.s32 @p1 $0x1;
	p0 =	seq.s32 s7, s2  }
0x1e: {  	s7 =	smul.u32 @!p0 $0xF7A, s2;
	p2 =	seq.s32 @!p0 s5, $0x0  }
0x1f: {  	s9 =	smul.u32 $0xF7A, s1;
	s8 =	simm.s32 @!p0 $0x1BF5;
	p2 =	por !p2, p0  }
0x20: {  	[sflag:s8] =	ssyncset.s32 @!p0 $0xFFFFF086;
	s6 =	sadd.s32 @!p0 s3, s7;
	s7 =	simm.s32 @!p0 $0x108  }
0x21: {  	s3 =	sadd.s32 s3, s9;
	s6 =	sadd.s32 @!p0 $0x88, s6;
	s7 =	simm.s32 @p2 $0x1082  }
0x22: {  	[simem:s7], [sflag:s8] =	dma.local @!p0 [hbm:s6], $0xF7A  }
0x23: {  	s9 =	sor.u32 $0xD0000000, s2;
	s6 =	simm.s32 $0x108;
	_ =	swait.ge @!p0 [sflag:s8], $0x0  }
0x24: {  	s3 =	sadd.s32 $0x88, s3;
	s6 =	simm.s32 @!p1 $0x1082;
	[sflag:s4] =	ssyncset.s32 $0xFFFFF086  }
0x25: {  	[simem:s6], [sflag:s4] =	dma.local [hbm:s3], $0xF7A  }
0x26: {  	[smem:$0x3F9D] =	sst s1;
	(tag) =	ssettag s2;
	_ =	strace s9  }
0x27: {  	s1 =	sld [smem:$0x3FAD]  }
0x28: {  	s2 =	sld [smem:$0x3FAE]  }
0x29: {  	s4 =	sld [smem:$0x3FB0]  }
0x2a: {  	p0 =	seq.s32 s5, $0x0;
	s5 =	sld [smem:$0x3FB1]  }
0x2b: {  	s6 =	sld [smem:$0x3FB2]  }
0x2c: {  	s7 =	sld [smem:$0x3FB3]  }
0x2d: {  	s3 =	simm.s32 $0x108;
	s8 =	sld [smem:$0x3FB4]  }
0x2e: {  	s3 =	simm.s32 @!p0 $0x1082;
	s9 =	sld [smem:$0x3FB5]  }
0x2f: {  	lr =	sadd.s32 s0, s3;
	s0 =	sld [smem:$0x3FAC]  }
0x30: {  	s3 =	sld [smem:$0x3FAF]  }
0x31: {  	[smem:$0x3FB8] =	sst s10  }
0x32: {  	s10 =	sld [smem:$0x3FB6];
	_ =	sdelay $0x3  }
0x33: {  	p0 =	seq.s32 s10, $0x1;
	s10 =	sld [smem:$0x3FB8];
	_ =	sdelay $0x3  }
0x34: {  	[smem:$0x3FB8] =	sst s10  }
0x35: {  	s10 =	sld [smem:$0x3FB7];
	_ =	sdelay $0x3  }
0x36: {  	p1 =	seq.s32 s10, $0x1;
	s10 =	sld [smem:$0x3FB8];
	_ =	sdelay $0x3  }
0x37: {  	[smem:$0x3FB8] =	sst s10  }
0x38: {  	s10 =	sld [smem:$0x3FB9]  }
0x39: {  	_ = 	snop;
	(pc) =	sbr.ind lr, $3  }
0x3a: {  	_ = 	snop  }
0x3b: {  	_ = 	snop  }
0x3c: {  	p2 =	seq.s32 s10, $0x1;
	s10 =	sld [smem:$0x3FB8]  }
0x3d: {  	_ =	shalt  }
0x3e: {  	_ =	shalt  }
0x3f: {  	_ =	shalt  }
0x40: {  	_ =	shalt  }
0x41: {  	_ =	shalt  }
0x42: {  	_ =	shalt  }
0x43: {  	_ =	shalt  }
0x44: {  	_ =	shalt  }
0x45: {  	_ =	shalt  }
0x46: {  	_ =	shalt  }
0x47: {  	_ =	shalt  }
0x48: {  	_ =	shalt  }
0x49: {  	_ =	shalt  }
0x4a: {  	_ =	shalt  }
0x4b: {  	_ =	shalt  }
0x4c: {  	_ =	shalt  }
0x4d: {  	_ =	shalt  }
0x4e: {  	_ =	shalt  }
0x4f: {  	_ =	shalt  }
0x50: {  	_ =	shalt  }
0x51: {  	_ =	shalt  }
0x52: {  	_ =	shalt  }
0x53: {  	_ =	shalt  }
0x54: {  	_ =	shalt  }
0x55: {  	_ =	shalt  }
0x56: {  	_ =	shalt  }
0x57: {  	_ =	shalt  }
0x58: {  	_ =	shalt  }
0x59: {  	_ =	shalt  }
0x5a: {  	_ =	shalt  }
0x5b: {  	_ =	shalt  }
0x5c: {  	_ =	shalt  }
0x5d: {  	_ =	shalt  }
0x5e: {  	_ =	shalt  }
0x5f: {  	_ =	shalt  }
0x60: {  	_ =	shalt  }
0x61: {  	_ =	shalt  }
0x62: {  	_ =	shalt  }
0x63: {  	_ =	shalt  }
0x64: {  	_ =	shalt  }
0x65: {  	_ =	shalt  }
0x66: {  	_ =	shalt  }
0x67: {  	_ =	shalt  }
0x68: {  	_ =	shalt  }
0x69: {  	_ =	shalt  }
0x6a: {  	_ =	shalt  }
0x6b: {  	_ =	shalt  }
0x6c: {  	_ =	shalt  }
0x6d: {  	_ =	shalt  }
0x6e: {  	_ =	shalt  }
0x6f: {  	_ =	shalt  }
0x70: {  	_ =	shalt  }
0x71: {  	_ =	shalt  }
0x72: {  	_ =	shalt  }
0x73: {  	_ =	shalt  }
0x74: {  	_ =	shalt  }
0x75: {  	_ =	shalt  }
0x76: {  	_ =	shalt  }
0x77: {  	_ =	shalt  }
0x78: {  	_ =	shalt  }
0x79: {  	_ =	shalt  }
0x7a: {  	_ =	shalt  }
0x7b: {  	_ =	shalt  }
0x7c: {  	_ =	shalt  }
0x7d: {  	_ =	shalt  }
0x7e: {  	_ =	shalt  }
0x7f: {  	_ =	shalt  }
0x80: {  	_ =	shalt  }
0x81: {  	_ =	shalt  }
0x82: {  	_ =	shalt  }
0x83: {  	_ =	shalt  }
0x84: {  	_ =	shalt  }
0x85: {  	_ =	shalt  }
0x86: {  	_ =	shalt  }
0x87: {  	_ =	shalt  }
.Lfunc_end0:
.L_simem_size_0:
called_computation_lowered:
.L_overlay_start_0:
0x88: {  	s2 =	sld [smem:$0x3FD9]  }
0x89: {  	s3 =	sld [smem:$0x3FFE];
	_ =	sdelay $0x1  }
0x8a: {  	s1 =	srdreg.scid  }
0x8b: {  	s0 =	sand.u32 $0x1, s1  }
0x8c: {  	s17 =	sshll.u32 s0, $0xA;
	s2 =	sadd.s32 s3, s2  }
0x8d: {  	s2 =	sadd.s32 s2, s17  }
0x8e: {  	[smem:$0x3FC4] =	sst s2  }
0x8f: {  	_ = 	snop  }
0x90: {  	s2 =	sld [smem:$0x3FC9];
	(tm) =	ssettm $0x1  }
0x91: {  	s18 =	sld [smem:$0x3FFB];
	_ =	sdelay $0x3  }
0x92: {  	_ =	strace s18  }
0x93: {  	s3 =	sld [smem:$0x3FFC];
	_ =	sdelay $0x3  }
0x94: {  	_ =	strace s3  }
0x95: {  	s3 =	sld [smem:$0x3FFD];
	_ =	sdelay $0x3  }
0x96: {  	_ =	strace s3  }
0x97: {  	_ =	strace $0x8FFFFFFF  }
0x98: {  	s19 =	sld [smem:$0x3FDB];
	_ =	sdelay $0x1  }
0x99: {  	s4 =	simm.s32 $_scs_section_size  }
0x9a: {  	s5 =	simm.s32 $_size__tile_overlayer_lowered;
	s6 =	simm.s32 $_tile_overlayer_lowered  }
0x9b: {  	s22 =	simm.s32 $0x1BFF;
	s21 =	sshll.u32 s6, $0x1;
	s3 =	sadd.s32 s4, s19  }
0x9c: {  	s7 =	simm.s32 $0x0;
	s20 =	sshll.u32 s5, $0x1;
	s5 =	sadd.s32 s21, s3  }
0x9d: {  	[timem:s7], [sflag:s22] =	dma.local [hbm:s5], s20  }
0x9e: {  	_ =	swait.ge [sflag:s22], s20  }
0x9f: {  	s4 =	ssub.s32 $0x0, s20;
	[sflag:s22] =	ssyncset.done $0x0  }
0xa0: {  	[sflag:s22] =	ssyncadd.s32 s4;
	_ =	sdelay $0x1  }
0xa1: {  	s23 =	simm.s32 $0x1B8B  }
0xa2: {  	_ =	swait.ge [sflag:s23], $0x1  }
0xa3: {  	[sflag:s23] =	ssyncset.done $0x0  }
0xa4: {  	s25 =	simm.s32 $0x1B8E;
	s24 =	sld [smem:$0x3FFE];
	[sflag:s23] =	ssyncadd.s32 $0xFFFFFFFF  }
0xa5: {  	s26 =	simm.s32 $execute0_lowered;
	[smem:$0x3FD2] =	sst s25  }
0xa6: {  	s5 =	sshll.u32 s26, $0x1;
	_ =	strace $0x80000046;
	[dreg:$0x1] =	wrdreg $0xFFFFFFFF  }
0xa7: {  	s28 =	simm.s32 $_size_execute0_lowered;
	s3 =	sadd.s32 s3, s5;
	[dreg:$0x0] =	wrdreg $0x0  }
0xa8: {  	s5 =	sshll.u32 s28, $0x1;
	[dreg:$0x2] =	wrdreg s3  }
0xa9: {  	[dreg:$0x3] =	wrdreg s5  }
0xaa: {  	[dreg:$0x4] =	wrdreg $0xC0  }
0xab: {  	_ =	task [dreg:s7], $0x5FFFF  }
0xac: {  	[dreg:$0x1] =	wrdreg $0xFFFFFFFF  }
0xad: {  	[dreg:$0x0] =	wrdreg $0x60  }
0xae: {  	[dreg:$0x2] =	wrdreg s2  }
0xaf: {  	[dreg:$0x3] =	wrdreg s24  }
0xb0: {  	[dreg:$0x4] =	wrdreg $0x9  }
0xb1: {  	_ =	task.clear_ibuf [dreg:s7], $0x5FFFF;
	_ =	strace $0x90000046  }
0xb2: {  	s29 =	simm.s32 $0x9;
	_ =	strace $0x80000048  }
0xb3: {  	_ =	swait.ge [sflag:s29], $0x1  }
0xb4: {  	[sflag:s29] =	ssyncadd.s32 $0xFFFFFFFF  }
0xb5: {  	_ =	strace $0x90000048  }
0xb6: {  	_ =	sfence  }
0xb7: {  	s30 =	sld [smem:$0x0];
	_ =	sdelay $0x2  }
0xb8: {  	s31 =	sshll.u32 s1, $0xD;
	s1 =	sshrl.u32 s1, $0x2  }
0xb9: {  	s3 =	sand.u32 $0x4000, s31;
	s1 =	sadd.s32 s1, s30  }
0xba: {  	s0 =	sor.u32 s3, s0;
	s1 =	sshll.u32 s1, $0x11  }
0xbb: {  	s0 =	sor.u32 s1, s0  }
0xbc: {  	s0 =	sadd.s32 $0x8F2B, s0  }
0xbd: {  	[sflag:s0] =	ssyncadd.remote.s32 $0x1  }
0xbe: {  	_ =	sfence.sel $0xFFFF  }
0xbf: {  	[dreg:$0x0] =	wrdreg $0xFFFFFFFF;
	(pc) =	sbr.abs _section_cstart, $3  }
0xc0: {  	[dreg:$0x1] =	wrdreg $0xFFFFFFFF  }
0xc1: {  	_ =	task.clear_ibuf [dreg:s7], $0x2FFFF;
	_ =	strace $0x9FFFFFFF  }
0xc2: {  	(tm) =	ssettm $0x7FFFFFFF  }
0xc3: {  	_ =	shalt  }
tec
execute0_lowered:
.L_overlay_start_1:
0x0: {  	(tag) =	ssettag $0x1  }
0x1: {  	s0 =	srdreg.scid;
	s1 =	rddreg [dreg:$0x0]  }
0x2: {  	s9 =	stileid.u32;
	s4 =	rddreg [dreg:$0x1]  }
0x3: {  	s2 =	simm.s32 $0x0;
	s15 =	simm.s32 $0x200;
	s16 =	simm.s32 $0x4200  }
0x4: {  	s17 =	simm.s32 $0x1;
	s18 =	simm.s32 $0xA00;
	s19 =	simm.s32 $0x1200  }
0x5: {  	s20 =	simm.s32 $0x1A00;
	s21 =	simm.s32 $0x2200;
	s22 =	simm.s32 $0x2A00  }
0x6: {  	s23 =	simm.s32 $0x3200;
	s28 =	simm.s32 $0x5200;
	s29 =	simm.s32 $0x5A00  }
0x7: {  	s30 =	simm.s32 $0x6200;
	s31 =	simm.s32 $0x6A00;
	s0 =	sand.u32 $0x1, s0  }
0x8: {  	s3 =	sshll.u32 s9, $0x9;
	[smem:$0x7FF] =	sst s2;
	s25 =	sshll.u32 s9, $0x10  }
0x9: {  	s9 =	sadd.s32 $0x1E00, s4;
	s10 =	sadd.s32 $0x1F00, s4;
	s5 =	sshll.u32 s0, $0x8  }
0xa: {  	s6 =	ssub.s32 $0x2, s0;
	_ =	strace $0x80000047;
	s5 =	sor.u32 s5, s3  }
0xb: {  	s0 =	sshll.u32 s0, $0xF;
	s8 =	sshrl.u32 s6, $0x1;
	s3 =	sshrl.u32 s5, $0x3  }
0xc: {  	s6 =	ssub.s32 s6, s8;
	s5 =	sshll.u32 s5, $0x7;
	s8 =	sadd.s32 $0x1D00, s4  }
0xd: {  	s7 =	sadd.s32 s3, s4;
	s3 =	sadd.s32 $0x1C00, s4;
	s5 =	sadd.s32 s1, s5  }
0xe: {  	s1 =	sadd.s32 s25, s1;
	s26 =	smax.u32 s6, $0x1;
	s25 =	simm.s32 $0x2  }
0xf: {  	s4 =	simm.s32 $0x4;
	s24 =	sadd.s32 $0xC00, s7;
	[dreg:$0x5] =	wrdreg s5  }
.Ltmp0:
0x10: {  	s7 =	sadd.s32 $0x1000, s7;
	[dreg:$0x7] =	wrdreg s26;
	(pc) =	sbr.rel .LBB2_1-.Ltmp0, $4  }
0x11: {  	s5 =	sadd.s32 $0x800, s5;
	s0 =	sadd.s32 s0, s1;
	[dreg:$0x3] =	wrdreg s24  }
0x12: {  	v2 =	vlaneseq.u32;
	s26 =	simm.s32 $0x4A00;
	s1 =	simm.s32 $0x7200;
	[dreg:$0x4] =	wrdreg s7  }
0x13: {  	vm0 =	vmmov $0xffff;
	v1 =	vshrl.u32 v2, $0x3;
	[dreg:$0x6] =	wrdreg s5;
	s0 =	sadd.s32 $0x1800, s0;
	s24 =	simm.s32 $0x3A00  }
0x14: {  	v0 =	vand.u32 $0x7, v2;
	v2 =	vor.u32 $0x8, v2;
	v1 =	vmul.u32 $0x8, v1;
	s5 =	simm.s32 $0x0;
	[dreg:$0x8] =	wrdreg s0;
	s0 =	simm.s32 $0x7A00  }
.LBB2_4:
0x15: {  	s6 =	simm.s32 $0x3  }
0x16: {  	_ =	swait.ge [sflag:s6], $0x4000  }
0x17: {  	[sflag:s6] =	ssyncset.done $0x0  }
0x18: {  	[sflag:s6] =	ssyncadd.s32 $0xFFFFC000  }
0x19: {  	_ =	swait.ge [sflag:s6], $0x4000  }
0x1a: {  	[sflag:s6] =	ssyncset.done $0x0  }
0x1b: {  	[sflag:s6] =	ssyncadd.s32 $0xFFFFC000  }
0x1c: {  	_ =	swait.ge [sflag:s4], $0x4000  }
0x1d: {  	[sflag:s4] =	ssyncset.done $0x0  }
0x1e: {  	[sflag:s4] =	ssyncadd.s32 $0xFFFFC000  }
0x1f: {  	_ =	swait.ge [sflag:s4], $0x4000  }
0x20: {  	s5 =	sadd.s32 $0x1, s5;
	s14 =	rddreg [dreg:$0x7]  }
0x21: {  	p0 =	sne.s32 s5, s14  }
.Ltmp1:
0x22: {  	_ = 	snop;
	(pc) =	sbr.rel @!p0 .LBB2_5-.Ltmp1, $3  }
0x23: {  	_ =	sdelay $0x1  }
0x24: {  	[sflag:s4] =	ssyncset.done $0x0  }
0x25: {  	[sflag:s4] =	ssyncadd.s32 $0xFFFFC000  }
.LBB2_1:
0x26: {  	s6 =	rddreg [dreg:$0x3];
	s7 =	simm.s32 $0x5  }
0x27: {  	[tilespmem:s2], [sflag:$0x5] =	stream.linear.gather [hbm4b:s6+s2], $0x100, $0x38;
	[tilespmem:$0x8200] =	vst v63  }
0x28: {  	_ =	swait.ge [sflag:s7], $0x100  }
0x29: {  	[sflag:s7] =	ssyncset.done $0x0  }
0x2a: {  	s11 =	simm.s32 $0x100;
	s12 =	rddreg [dreg:$0x4];
	[sflag:s7] =	ssyncadd.s32 $0xFFFFFF00  }
0x2b: {  	[tilespmem:s11], [sflag:$0x5] =	stream.linear.gather [hbm4b:s12+s2], $0x100, $0x38;
	[tilespmem:$0x8200] =	vst v63  }
0x2c: {  	_ =	swait.ge [sflag:s7], $0x100  }
0x2d: {  	[sflag:s7] =	ssyncset.done $0x0;
	s13 =	rddreg [dreg:$0x5]  }
0x2e: {  	s14 =	rddreg [dreg:$0x6];
	[sflag:s7] =	ssyncadd.s32 $0xFFFFFF00  }
0x2f: {  	[tilespmem:s15], [sflag:$0x1] =	stream.linear.gather [hbm4b:s13+s2], $0x4000, $0x38;
	[tilespmem:$0x8200] =	vst v63  }
0x30: {  	s6 =	simm.s32 $0x0;
	s12 =	rddreg [dreg:$0x8]  }
0x31: {  	[tilespmem:s16], [sflag:$0x2] =	stream.linear.gather [hbm4b:s14+s2], $0x4000, $0x38;
	[tilespmem:$0x8200] =	vst v63  }
.LBB2_2:
0x32: {  	_ =	swait.ge [sflag:s17], $0x4000  }
0x33: {  	[sflag:s17] =	ssyncset.done $0x0  }
0x34: {  	s11 =	sshra.s32 s6, $0x2;
	[sflag:s17] =	ssyncadd.s32 $0xFFFFC000  }
0x35: {  	v3 =	vld [tilespmem:s11+$0x0];
	_ =	sdelay $0x4  }
0x36: {  	v4 =	vshll.u32 v3, $0x3  }
0x37: {  	v3 =	vand.u32 $0x7, v3;
	v4 =	vand.u32 $0xFFFFFFC0, v4  }
0x38: {  	v3 =	vor.u32 v3, v4  }
0x39: {  	v4 =	vperm.xlane v3, v0;
	_ =	sdelay $0x1  }
0x3a: {  	v4 =	vadd.s32 v1, v4;
	_ =	sdelay $0x4  }
0x3b: {  	v5 =	vld [tilespmem:s11+$0x100];
	[hbm4b:s3+s2] =	stream.indirect_vreg.scatter [tilespmem:s15], [sflag:$0x3], $0x80, v4, vm0, $0xb8  }
0x3c: {  	v3 =	vperm.xlane v3, v2  }
0x3d: {  	[hbm4b:s8+s2] =	stream.indirect_vreg.scatter [tilespmem:s18], [sflag:$0x3], $0x80, v4, vm0, $0xb8;
	[tilespmem:$0x8200] =	vst v63  }
0x3e: {  	v3 =	vadd.s32 v1, v3  }
0x3f: {  	[hbm4b:s9+s2] =	stream.indirect_vreg.scatter [tilespmem:s19], [sflag:$0x3], $0x80, v4, vm0, $0xb8;
	[tilespmem:$0x8200] =	vst v63  }
0x40: {  	_ = 	snop  }
0x41: {  	v60 =	vshll.u32 v5, $0x3;
	[hbm4b:s10+s2] =	stream.indirect_vreg.scatter [tilespmem:s20], [sflag:$0x3], $0x80, v4, vm0, $0xb8;
	[tilespmem:$0x8200] =	vst v63  }
0x42: {  	v5 =	vand.u32 $0x7, v5;
	v4 =	vand.u32 $0xFFFFFFC0, v60  }
0x43: {  	v4 =	vor.u32 v5, v4;
	[hbm4b:s3+s2] =	stream.indirect_vreg.scatter [tilespmem:s21], [sflag:$0x3], $0x80, v3, vm0, $0xb8;
	[tilespmem:$0x8200] =	vst v63  }
0x44: {  	v5 =	vperm.xlane v4, v0  }
0x45: {  	[hbm4b:s8+s2] =	stream.indirect_vreg.scatter [tilespmem:s22], [sflag:$0x3], $0x80, v3, vm0, $0xb8;
	[tilespmem:$0x8200] =	vst v63  }
0x46: {  	v5 =	vadd.s32 v1, v5  }
0x47: {  	[hbm4b:s9+s2] =	stream.indirect_vreg.scatter [tilespmem:s23], [sflag:$0x3], $0x80, v3, vm0, $0xb8;
	[tilespmem:$0x8200] =	vst v63  }
0x48: {  	_ = 	snop  }
0x49: {  	[hbm4b:s10+s2] =	stream.indirect_vreg.scatter [tilespmem:s24], [sflag:$0x3], $0x80, v3, vm0, $0xb8;
	[tilespmem:$0x8200] =	vst v63  }
0x4a: {  	_ = 	snop  }
0x4b: {  	[hbm4b:s3+s2] =	stream.indirect_vreg.scatter [tilespmem:s15], [sflag:$0x3], $0x80, v5, vm0, $0xb8;
	[tilespmem:$0x8200] =	vst v63  }
0x4c: {  	v3 =	vperm.xlane v4, v2  }
0x4d: {  	[hbm4b:s8+s2] =	stream.indirect_vreg.scatter [tilespmem:s18], [sflag:$0x3], $0x80, v5, vm0, $0xb8;
	[tilespmem:$0x8200] =	vst v63  }
0x4e: {  	v3 =	vadd.s32 v1, v3  }
0x4f: {  	[hbm4b:s9+s2] =	stream.indirect_vreg.scatter [tilespmem:s19], [sflag:$0x3], $0x80, v5, vm0, $0xb8;
	[tilespmem:$0x8200] =	vst v63  }
0x50: {  	_ = 	snop  }
0x51: {  	[hbm4b:s10+s2] =	stream.indirect_vreg.scatter [tilespmem:s20], [sflag:$0x3], $0x80, v5, vm0, $0xb8;
	[tilespmem:$0x8200] =	vst v63  }
0x52: {  	_ = 	snop  }
0x53: {  	[hbm4b:s3+s2] =	stream.indirect_vreg.scatter [tilespmem:s21], [sflag:$0x3], $0x80, v3, vm0, $0xb8;
	[tilespmem:$0x8200] =	vst v63  }
0x54: {  	_ = 	snop  }
0x55: {  	[hbm4b:s8+s2] =	stream.indirect_vreg.scatter [tilespmem:s22], [sflag:$0x3], $0x80, v3, vm0, $0xb8;
	[tilespmem:$0x8200] =	vst v63  }
0x56: {  	p0 =	seq.s32 s6, $0x380  }
0x57: {  	[hbm4b:s9+s2] =	stream.indirect_vreg.scatter [tilespmem:s23], [sflag:$0x3], $0x80, v3, vm0, $0xb8;
	[tilespmem:$0x8200] =	vst v63  }
0x58: {  	s7 =	simm.s32 @!p0 $0x3  }
0x59: {  	[hbm4b:s10+s2] =	stream.indirect_vreg.scatter [tilespmem:s24], [sflag:$0x3], $0x80, v3, vm0, $0xb8;
	[tilespmem:$0x8200] =	vst v63  }
0x5a: {  	_ =	swait.ge @!p0 [sflag:s7], $0x4000  }
0x5b: {  	[sflag:s7] =	ssyncset.done @!p0 $0x0  }
0x5c: {  	[sflag:s7] =	ssyncadd.s32 @!p0 $0xFFFFC000  }
0x5d: {  	_ =	swait.ge @!p0 [sflag:s7], $0x4000  }
0x5e: {  	s13 =	simm.s32 @!p0 $0x0;
	[sflag:s7] =	ssyncset.done @!p0 $0x0  }
0x5f: {  	s14 =	simm.s32 @!p0 $0x200;
	[sflag:s7] =	ssyncadd.s32 @!p0 $0xFFFFC000;
	s7 =	sadd.s32 @!p0 $0xFFFFF800, s12  }
0x60: {  	[tilespmem:s14], [sflag:$0x1] =	stream.linear.gather @!p0 [hbm4b:s7+s13], $0x4000, $0x38;
	[tilespmem:$0x8200] =	vst v63  }
0x61: {  	_ =	swait.ge [sflag:s25], $0x4000  }
0x62: {  	[sflag:s25] =	ssyncset.done $0x0  }
0x63: {  	[sflag:s25] =	ssyncadd.s32 $0xFFFFC000  }
0x64: {  	v3 =	vld [tilespmem:s11+$0x10];
	_ =	sdelay $0x4  }
0x65: {  	v61 =	vshll.u32 v3, $0x3  }
0x66: {  	v3 =	vand.u32 $0x7, v3;
	v4 =	vand.u32 $0xFFFFFFC0, v61  }
0x67: {  	v3 =	vor.u32 v3, v4  }
0x68: {  	v4 =	vperm.xlane v3, v0;
	_ =	sdelay $0x1  }
0x69: {  	v4 =	vadd.s32 v1, v4;
	_ =	sdelay $0x4  }
0x6a: {  	v62 =	vld [tilespmem:s11+$0x110];
	[hbm4b:s3+s2] =	stream.indirect_vreg.scatter [tilespmem:s16], [sflag:$0x4], $0x80, v4, vm0, $0xb8  }
0x6b: {  	v3 =	vperm.xlane v3, v2  }
0x6c: {  	[hbm4b:s8+s2] =	stream.indirect_vreg.scatter [tilespmem:s26], [sflag:$0x4], $0x80, v4, vm0, $0xb8;
	[tilespmem:$0x8200] =	vst v63  }
0x6d: {  	v3 =	vadd.s32 v1, v3  }
0x6e: {  	[hbm4b:s9+s2] =	stream.indirect_vreg.scatter [tilespmem:s28], [sflag:$0x4], $0x80, v4, vm0, $0xb8;
	[tilespmem:$0x8200] =	vst v63  }
0x6f: {  	_ = 	snop  }
0x70: {  	v63 =	vshll.u32 v62, $0x3;
	[hbm4b:s10+s2] =	stream.indirect_vreg.scatter [tilespmem:s29], [sflag:$0x4], $0x80, v4, vm0, $0xb8;
	[tilespmem:$0x8200] =	vst v63  }
0x71: {  	v5 =	vand.u32 $0x7, v62;
	v4 =	vand.u32 $0xFFFFFFC0, v63  }
0x72: {  	v4 =	vor.u32 v5, v4;
	[hbm4b:s3+s2] =	stream.indirect_vreg.scatter [tilespmem:s30], [sflag:$0x4], $0x80, v3, vm0, $0xb8;
	[tilespmem:$0x8200] =	vst v63  }
0x73: {  	v5 =	vperm.xlane v4, v0  }
0x74: {  	[hbm4b:s8+s2] =	stream.indirect_vreg.scatter [tilespmem:s31], [sflag:$0x4], $0x80, v3, vm0, $0xb8;
	[tilespmem:$0x8200] =	vst v63  }
0x75: {  	v5 =	vadd.s32 v1, v5  }
0x76: {  	[hbm4b:s9+s2] =	stream.indirect_vreg.scatter [tilespmem:s1], [sflag:$0x4], $0x80, v3, vm0, $0xb8;
	[tilespmem:$0x8200] =	vst v63  }
0x77: {  	_ = 	snop  }
0x78: {  	[hbm4b:s10+s2] =	stream.indirect_vreg.scatter [tilespmem:s0], [sflag:$0x4], $0x80, v3, vm0, $0xb8;
	[tilespmem:$0x8200] =	vst v63  }
0x79: {  	_ = 	snop  }
0x7a: {  	[hbm4b:s3+s2] =	stream.indirect_vreg.scatter [tilespmem:s16], [sflag:$0x4], $0x80, v5, vm0, $0xb8;
	[tilespmem:$0x8200] =	vst v63  }
0x7b: {  	v3 =	vperm.xlane v4, v2  }
0x7c: {  	[hbm4b:s8+s2] =	stream.indirect_vreg.scatter [tilespmem:s26], [sflag:$0x4], $0x80, v5, vm0, $0xb8;
	[tilespmem:$0x8200] =	vst v63  }
0x7d: {  	v3 =	vadd.s32 v1, v3  }
0x7e: {  	[hbm4b:s9+s2] =	stream.indirect_vreg.scatter [tilespmem:s28], [sflag:$0x4], $0x80, v5, vm0, $0xb8;
	[tilespmem:$0x8200] =	vst v63  }
0x7f: {  	_ = 	snop  }
0x80: {  	[hbm4b:s10+s2] =	stream.indirect_vreg.scatter [tilespmem:s29], [sflag:$0x4], $0x80, v5, vm0, $0xb8;
	[tilespmem:$0x8200] =	vst v63  }
0x81: {  	_ = 	snop  }
0x82: {  	[hbm4b:s3+s2] =	stream.indirect_vreg.scatter [tilespmem:s30], [sflag:$0x4], $0x80, v3, vm0, $0xb8;
	[tilespmem:$0x8200] =	vst v63  }
0x83: {  	_ = 	snop  }
0x84: {  	[hbm4b:s8+s2] =	stream.indirect_vreg.scatter [tilespmem:s31], [sflag:$0x4], $0x80, v3, vm0, $0xb8;
	[tilespmem:$0x8200] =	vst v63  }
.Ltmp2:
0x85: {  	_ = 	snop;
	(pc) =	sbr.rel @p0 .LBB2_4-.Ltmp2, $4  }
0x86: {  	_ = 	snop  }
0x87: {  	[hbm4b:s9+s2] =	stream.indirect_vreg.scatter [tilespmem:s1], [sflag:$0x4], $0x80, v3, vm0, $0xb8;
	[tilespmem:$0x8200] =	vst v63  }
0x88: {  	_ = 	snop  }
0x89: {  	[hbm4b:s10+s2] =	stream.indirect_vreg.scatter [tilespmem:s0], [sflag:$0x4], $0x80, v3, vm0, $0xb8;
	[tilespmem:$0x8200] =	vst v63  }
0x8a: {  	_ =	swait.ge [sflag:s4], $0x4000  }
0x8b: {  	[sflag:s4] =	ssyncset.done $0x0  }
0x8c: {  	[sflag:s4] =	ssyncadd.s32 $0xFFFFC000  }
.Ltmp3:
0x8d: {  	_ =	swait.ge [sflag:s4], $0x4000;
	(pc) =	sbr.rel .LBB2_2-.Ltmp3, $4  }
0x8e: {  	[sflag:s4] =	ssyncset.done $0x0  }
0x8f: {  	[sflag:s4] =	ssyncadd.s32 $0xFFFFC000  }
0x90: {  	[tilespmem:s16], [sflag:$0x2] =	stream.linear.gather [hbm4b:s12+s2], $0x4000, $0x38;
	[tilespmem:$0x8200] =	vst v63  }
0x91: {  	s6 =	sadd.s32 $0x80, s6;
	s12 =	sadd.s32 $0x1000, s12  }
.LBB2_5:
0x92: {  	_ =	sfence.sel $0x180000  }
0x93: {  	[bflag:$0x0] =	sbarrier.arrive $0xFFFF  }
0x94: {  	_ =	strace $0x90000047  }
0x95: {  	s0 =	stileid.u32;
	[bflag:$0x2] =	sbarrier.arrive $0xFFFF  }
0x96: {  	p0 =	sne.s32 s0, $0x0;
	s0 =	rddreg [dreg:$0x2]  }
0x97: {  	s0 =	sadd.s32 @!p0 $0x100000, s0  }
0x98: {  	[sflag:s0] =	ssyncadd.tile.s32 @!p0 $0x1;
	_ =	shalt  }
.Lfunc_end2:
_tile_overlayer_lowered:
.L_overlay_start_2:
0x99: {  	(tag) =	ssettag $0x2  }
0x9a: {  	s0 =	rddreg [dreg:$0x0];
	s2 =	stileid.u32  }
0x9b: {  	s1 =	rddreg [dreg:$0x1];
	p0 =	sne.s32 s2, $0x0  }
0x9c: {  	s3 =	rddreg [dreg:$0x2];
	[bflag:$0x3] =	sbarrier.arrive $0xFFFF;
	s2 =	simm.s32 @!p0 $0x1C05  }
0x9d: {  	[timem:s3], [sflag:s2] =	dma.local @!p0 [hbm:s0], s1  }
0x9e: {  	s0 =	simm.s32 @!p0 $0x5  }
0x9f: {  	_ =	swait.ge @!p0 [sflag:s0], s1  }
0xa0: {  	s1 =	ssub.s32 @!p0 $0x0, s1;
	[sflag:s0] =	ssyncset.done @!p0 $0x0  }
0xa1: {  	[sflag:s0] =	ssyncadd.s32 @!p0 s1  }
0xa2: {  	[bflag:$0x3] =	sbarrier.arrive $0xFFFF  }
0xa3: {  	_ =	shalt  }

// kernel: kernel.9.cloned.1.call-start
scs
__scs_entry_jumppad:
0x0: {  	(pc) =	sbr.rel $0x88, $3  }
0x1: {  	(tag) =	ssettag $0x0;
	lr =	simm.s32 $0x1  }
0x2: {  	[smem:$0x3F9D] =	sst lr;
	_ =	strace $0xD0000000  }
0x3: {  	_ = 	snop  }
0x4: {  	_ = 	snop  }
0x5: {  	_ = 	snop  }
0x6: {  	_ = 	snop  }
0x7: {  	_ = 	snop  }
__scs_overlays_trampoline_lowered:
0x8: {  	[smem:$0x3FAC] =	sst s0  }
0x9: {  	[smem:$0x3FAD] =	sst s1  }
0xa: {  	[smem:$0x3FAE] =	sst s2  }
0xb: {  	[smem:$0x3FAF] =	sst s3  }
0xc: {  	[smem:$0x3FB0] =	sst s4  }
0xd: {  	[smem:$0x3FB1] =	sst s5  }
0xe: {  	[smem:$0x3FB2] =	sst s6  }
0xf: {  	[smem:$0x3FB3] =	sst s7  }
0x10: {  	[smem:$0x3FB4] =	sst s8  }
0x11: {  	[smem:$0x3FB5] =	sst s9;
	s0 =	simm.s32 @!p0 $0x0  }
0x12: {  	s1 =	sld [smem:$0x3F9B];
	s0 =	simm.s32 @p0 $0x1  }
0x13: {  	[smem:$0x3FB6] =	sst s0;
	s0 =	simm.s32 @!p1 $0x0  }
0x14: {  	s2 =	sld [smem:$0x3F9A];
	s0 =	simm.s32 @p1 $0x1  }
0x15: {  	[smem:$0x3FB7] =	sst s0;
	s0 =	simm.s32 @!p2 $0x0  }
0x16: {  	s3 =	sld [smem:$0x3FDB];
	s0 =	simm.s32 @p2 $0x1  }
0x17: {  	s4 =	simm.s32 $0x1BF5;
	[smem:$0x3FB9] =	sst s0  }
0x18: {  	s0 =	sld [smem:$0x3F9C];
	_ =	swait.ge [sflag:s4], $0x0  }
0x19: {  	s7 =	sld [smem:$0x3F9D]  }
0x1a: {  	s8 =	sadd.s32 $0xFFFFE003, lr  }
0x1b: {  	s9 =	sadd.s32 $0xFFFFFEF7, lr;
	s5 =	simm.s32 $0xFFFFFFFF;
	p2 =	slt.u32 s8, $0xFFFFF086  }
0x1c: {  	p1 =	slt.u32 s9, $0xF7A;
	s5 =	simm.s32 @!p2 $0x0  }
0x1d: {  	s5 =	simm.s32 @p1 $0x1;
	p0 =	seq.s32 s7, s2  }
0x1e: {  	s7 =	smul.u32 @!p0 $0xF7A, s2;
	p2 =	seq.s32 @!p0 s5, $0x0  }
0x1f: {  	s9 =	smul.u32 $0xF7A, s1;
	s8 =	simm.s32 @!p0 $0x1BF5;
	p2 =	por !p2, p0  }
0x20: {  	[sflag:s8] =	ssyncset.s32 @!p0 $0xFFFFF086;
	s6 =	sadd.s32 @!p0 s3, s7;
	s7 =	simm.s32 @!p0 $0x108  }
0x21: {  	s3 =	sadd.s32 s3, s9;
	s6 =	sadd.s32 @!p0 $0x88, s6;
	s7 =	simm.s32 @p2 $0x1082  }
0x22: {  	[simem:s7], [sflag:s8] =	dma.local @!p0 [hbm:s6], $0xF7A  }
0x23: {  	s9 =	sor.u32 $0xD0000000, s2;
	s6 =	simm.s32 $0x108;
	_ =	swait.ge @!p0 [sflag:s8], $0x0  }
0x24: {  	s3 =	sadd.s32 $0x88, s3;
	s6 =	simm.s32 @!p1 $0x1082;
	[sflag:s4] =	ssyncset.s32 $0xFFFFF086  }
0x25: {  	[simem:s6], [sflag:s4] =	dma.local [hbm:s3], $0xF7A  }
0x26: {  	[smem:$0x3F9D] =	sst s1;
	(tag) =	ssettag s2;
	_ =	strace s9  }
0x27: {  	s1 =	sld [smem:$0x3FAD]  }
0x28: {  	s2 =	sld [smem:$0x3FAE]  }
0x29: {  	s4 =	sld [smem:$0x3FB0]  }
0x2a: {  	p0 =	seq.s32 s5, $0x0;
	s5 =	sld [smem:$0x3FB1]  }
0x2b: {  	s6 =	sld [smem:$0x3FB2]  }
0x2c: {  	s7 =	sld [smem:$0x3FB3]  }
0x2d: {  	s3 =	simm.s32 $0x108;
	s8 =	sld [smem:$0x3FB4]  }
0x2e: {  	s3 =	simm.s32 @!p0 $0x1082;
	s9 =	sld [smem:$0x3FB5]  }
0x2f: {  	lr =	sadd.s32 s0, s3;
	s0 =	sld [smem:$0x3FAC]  }
0x30: {  	s3 =	sld [smem:$0x3FAF]  }
0x31: {  	[smem:$0x3FB8] =	sst s10  }
0x32: {  	s10 =	sld [smem:$0x3FB6];
	_ =	sdelay $0x3  }
0x33: {  	p0 =	seq.s32 s10, $0x1;
	s10 =	sld [smem:$0x3FB8];
	_ =	sdelay $0x3  }
0x34: {  	[smem:$0x3FB8] =	sst s10  }
0x35: {  	s10 =	sld [smem:$0x3FB7];
	_ =	sdelay $0x3  }
0x36: {  	p1 =	seq.s32 s10, $0x1;
	s10 =	sld [smem:$0x3FB8];
	_ =	sdelay $0x3  }
0x37: {  	[smem:$0x3FB8] =	sst s10  }
0x38: {  	s10 =	sld [smem:$0x3FB9]  }
0x39: {  	_ = 	snop;
	(pc) =	sbr.ind lr, $3  }
0x3a: {  	_ = 	snop  }
0x3b: {  	_ = 	snop  }
0x3c: {  	p2 =	seq.s32 s10, $0x1;
	s10 =	sld [smem:$0x3FB8]  }
0x3d: {  	_ =	shalt  }
0x3e: {  	_ =	shalt  }
0x3f: {  	_ =	shalt  }
0x40: {  	_ =	shalt  }
0x41: {  	_ =	shalt  }
0x42: {  	_ =	shalt  }
0x43: {  	_ =	shalt  }
0x44: {  	_ =	shalt  }
0x45: {  	_ =	shalt  }
0x46: {  	_ =	shalt  }
0x47: {  	_ =	shalt  }
0x48: {  	_ =	shalt  }
0x49: {  	_ =	shalt  }
0x4a: {  	_ =	shalt  }
0x4b: {  	_ =	shalt  }
0x4c: {  	_ =	shalt  }
0x4d: {  	_ =	shalt  }
0x4e: {  	_ =	shalt  }
0x4f: {  	_ =	shalt  }
0x50: {  	_ =	shalt  }
0x51: {  	_ =	shalt  }
0x52: {  	_ =	shalt  }
0x53: {  	_ =	shalt  }
0x54: {  	_ =	shalt  }
0x55: {  	_ =	shalt  }
0x56: {  	_ =	shalt  }
0x57: {  	_ =	shalt  }
0x58: {  	_ =	shalt  }
0x59: {  	_ =	shalt  }
0x5a: {  	_ =	shalt  }
0x5b: {  	_ =	shalt  }
0x5c: {  	_ =	shalt  }
0x5d: {  	_ =	shalt  }
0x5e: {  	_ =	shalt  }
0x5f: {  	_ =	shalt  }
0x60: {  	_ =	shalt  }
0x61: {  	_ =	shalt  }
0x62: {  	_ =	shalt  }
0x63: {  	_ =	shalt  }
0x64: {  	_ =	shalt  }
0x65: {  	_ =	shalt  }
0x66: {  	_ =	shalt  }
0x67: {  	_ =	shalt  }
0x68: {  	_ =	shalt  }
0x69: {  	_ =	shalt  }
0x6a: {  	_ =	shalt  }
0x6b: {  	_ =	shalt  }
0x6c: {  	_ =	shalt  }
0x6d: {  	_ =	shalt  }
0x6e: {  	_ =	shalt  }
0x6f: {  	_ =	shalt  }
0x70: {  	_ =	shalt  }
0x71: {  	_ =	shalt  }
0x72: {  	_ =	shalt  }
0x73: {  	_ =	shalt  }
0x74: {  	_ =	shalt  }
0x75: {  	_ =	shalt  }
0x76: {  	_ =	shalt  }
0x77: {  	_ =	shalt  }
0x78: {  	_ =	shalt  }
0x79: {  	_ =	shalt  }
0x7a: {  	_ =	shalt  }
0x7b: {  	_ =	shalt  }
0x7c: {  	_ =	shalt  }
0x7d: {  	_ =	shalt  }
0x7e: {  	_ =	shalt  }
0x7f: {  	_ =	shalt  }
0x80: {  	_ =	shalt  }
0x81: {  	_ =	shalt  }
0x82: {  	_ =	shalt  }
0x83: {  	_ =	shalt  }
0x84: {  	_ =	shalt  }
0x85: {  	_ =	shalt  }
0x86: {  	_ =	shalt  }
0x87: {  	_ =	shalt  }
.Lfunc_end0:
.L_simem_size_0:
called_computation.1_lowered:
.L_overlay_start_0:
0x88: {  	s2 =	sld [smem:$0x3FD9]  }
0x89: {  	s3 =	sld [smem:$0x3FFE];
	_ =	sdelay $0x1  }
0x8a: {  	s1 =	srdreg.scid  }
0x8b: {  	s0 =	sand.u32 $0x1, s1  }
0x8c: {  	s17 =	sshll.u32 s0, $0xA;
	s2 =	sadd.s32 s3, s2  }
0x8d: {  	s2 =	sadd.s32 s2, s17  }
0x8e: {  	[smem:$0x3FC4] =	sst s2  }
0x8f: {  	_ = 	snop  }
0x90: {  	s2 =	sld [smem:$0x3FD0];
	(tm) =	ssettm $0x1  }
0x91: {  	s18 =	sld [smem:$0x3FFB];
	_ =	sdelay $0x3  }
0x92: {  	_ =	strace s18  }
0x93: {  	s3 =	sld [smem:$0x3FFC];
	_ =	sdelay $0x3  }
0x94: {  	_ =	strace s3  }
0x95: {  	s3 =	sld [smem:$0x3FFD];
	_ =	sdelay $0x3  }
0x96: {  	_ =	strace s3  }
0x97: {  	_ =	strace $0x8FFFFFFF  }
0x98: {  	s19 =	sld [smem:$0x3FDB];
	_ =	sdelay $0x1  }
0x99: {  	s4 =	simm.s32 $_scs_section_size  }
0x9a: {  	s5 =	simm.s32 $_size__tile_overlayer_lowered;
	s6 =	simm.s32 $_tile_overlayer_lowered  }
0x9b: {  	s22 =	simm.s32 $0x1BFF;
	s21 =	sshll.u32 s6, $0x1;
	s3 =	sadd.s32 s4, s19  }
0x9c: {  	s7 =	simm.s32 $0x0;
	s20 =	sshll.u32 s5, $0x1;
	s5 =	sadd.s32 s21, s3  }
0x9d: {  	[timem:s7], [sflag:s22] =	dma.local [hbm:s5], s20  }
0x9e: {  	_ =	swait.ge [sflag:s22], s20  }
0x9f: {  	s4 =	ssub.s32 $0x0, s20;
	[sflag:s22] =	ssyncset.done $0x0  }
0xa0: {  	[sflag:s22] =	ssyncadd.s32 s4;
	_ =	sdelay $0x1  }
0xa1: {  	s23 =	simm.s32 $0x1B8B  }
0xa2: {  	_ =	swait.ge [sflag:s23], $0x1  }
0xa3: {  	[sflag:s23] =	ssyncset.done $0x0  }
0xa4: {  	s25 =	simm.s32 $0x1B8E;
	s24 =	sld [smem:$0x3FFE];
	[sflag:s23] =	ssyncadd.s32 $0xFFFFFFFF  }
0xa5: {  	s26 =	simm.s32 $execute0_lowered;
	[smem:$0x3FD2] =	sst s25  }
0xa6: {  	s5 =	sshll.u32 s26, $0x1;
	_ =	strace $0x80000049;
	[dreg:$0x1] =	wrdreg $0xFFFFFFFF  }
0xa7: {  	s28 =	simm.s32 $_size_execute0_lowered;
	s3 =	sadd.s32 s3, s5;
	[dreg:$0x0] =	wrdreg $0x0  }
0xa8: {  	s5 =	sshll.u32 s28, $0x1;
	[dreg:$0x2] =	wrdreg s3  }
0xa9: {  	[dreg:$0x3] =	wrdreg s5  }
0xaa: {  	[dreg:$0x4] =	wrdreg $0xC0  }
0xab: {  	_ =	task [dreg:s7], $0x5FFFF  }
0xac: {  	[dreg:$0x1] =	wrdreg $0xFFFFFFFF  }
0xad: {  	[dreg:$0x0] =	wrdreg $0x60  }
0xae: {  	[dreg:$0x2] =	wrdreg s24  }
0xaf: {  	[dreg:$0x3] =	wrdreg s2  }
0xb0: {  	[dreg:$0x4] =	wrdreg $0x9  }
0xb1: {  	_ =	task.clear_ibuf [dreg:s7], $0x5FFFF;
	_ =	strace $0x90000049  }
0xb2: {  	s29 =	simm.s32 $0x9;
	_ =	strace $0x8000004B  }
0xb3: {  	_ =	swait.ge [sflag:s29], $0x1  }
0xb4: {  	[sflag:s29] =	ssyncadd.s32 $0xFFFFFFFF  }
0xb5: {  	_ =	strace $0x9000004B  }
0xb6: {  	_ =	sfence  }
0xb7: {  	s30 =	sld [smem:$0x0];
	_ =	sdelay $0x2  }
0xb8: {  	s31 =	sshll.u32 s1, $0xD;
	s1 =	sshrl.u32 s1, $0x2  }
0xb9: {  	s3 =	sand.u32 $0x4000, s31;
	s1 =	sadd.s32 s1, s30  }
0xba: {  	s0 =	sor.u32 s3, s0;
	s1 =	sshll.u32 s1, $0x11  }
0xbb: {  	s0 =	sor.u32 s1, s0  }
0xbc: {  	s0 =	sadd.s32 $0x8F2B, s0  }
0xbd: {  	[sflag:s0] =	ssyncadd.remote.s32 $0x1  }
0xbe: {  	_ =	sfence.sel $0xFFFF  }
0xbf: {  	[dreg:$0x0] =	wrdreg $0xFFFFFFFF;
	(pc) =	sbr.abs _section_cstart, $3  }
0xc0: {  	[dreg:$0x1] =	wrdreg $0xFFFFFFFF  }
0xc1: {  	_ =	task.clear_ibuf [dreg:s7], $0x2FFFF;
	_ =	strace $0x9FFFFFFF  }
0xc2: {  	(tm) =	ssettm $0x7FFFFFFF  }
0xc3: {  	_ =	shalt  }
tec
execute0_lowered:
.L_overlay_start_1:
0x0: {  	(tag) =	ssettag $0x1  }
0x1: {  	s0 =	srdreg.scid  }
0x2: {  	s1 =	rddreg [dreg:$0x0];
	s3 =	stileid.u32  }
0x3: {  	s2 =	rddreg [dreg:$0x1];
	s14 =	simm.s32 $0x3;
	s20 =	simm.s32 $0xA400  }
0x4: {  	s21 =	simm.s32 $0xAC00;
	s22 =	simm.s32 $0xB400;
	s23 =	simm.s32 $0xBC00  }
0x5: {  	s24 =	simm.s32 $0xC400;
	s28 =	simm.s32 $0xDC00;
	s29 =	simm.s32 $0xE400  }
0x6: {  	s30 =	simm.s32 $0xEC00;
	s31 =	simm.s32 $0xF400;
	s15 =	simm.s32 $0x10400  }
0x7: {  	s0 =	sand.u32 $0x1, s0;
	s4 =	sshll.u32 s3, $0x9;
	s3 =	simm.s32 $0x0  }
0x8: {  	s10 =	sadd.s32 $0x641D00, s1;
	s5 =	sshll.u32 s0, $0x8;
	s0 =	ssub.s32 $0x2, s0  }
0x9: {  	s11 =	sadd.s32 $0x641E00, s1;
	s4 =	sor.u32 s5, s4;
	s7 =	sshrl.u32 s0, $0x1  }
0xa: {  	s12 =	sadd.s32 $0x641F00, s1;
	s5 =	sshrl.u32 s4, $0x3;
	s0 =	ssub.s32 s0, s7  }
0xb: {  	[smem:$0x7FF] =	sst s3;
	s6 =	sadd.s32 s5, s1;
	s0 =	smax.u32 s0, $0x1  }
0xc: {  	_ =	strace $0x8000004A;
	s8 =	sadd.s32 $0xC00, s6;
	[dreg:$0x7] =	wrdreg s0  }
.Ltmp0:
0xd: {  	s25 =	sadd.s32 $0x1000, s6;
	[dreg:$0x3] =	wrdreg s8;
	(pc) =	sbr.rel .LBB2_1-.Ltmp0, $4  }
0xe: {  	s5 =	sadd.s32 $0x641C00, s1;
	s26 =	sadd.s32 $0x1400, s6;
	[dreg:$0x4] =	wrdreg s25  }
0xf: {  	v0 =	vlaneseq.u32;
	s1 =	simm.s32 $0xFC00;
	s6 =	sadd.s32 $0x1800, s6;
	[dreg:$0x5] =	wrdreg s26  }
0x10: {  	vm0 =	vmmov $0xffff;
	v2 =	vshrl.u32 v0, $0x3;
	s0 =	simm.s32 $0x1;
	[dreg:$0x6] =	wrdreg s6;
	s25 =	simm.s32 $0xCC00  }
0x11: {  	v1 =	vand.u32 $0x7, v0;
	v3 =	vor.u32 $0x8, v0;
	v2 =	vmul.u32 $0x8, v2;
	s26 =	simm.s32 $0xD400;
	s6 =	simm.s32 $0x2;
	s8 =	simm.s32 $0x0  }
.LBB2_12:
0x12: {  	s8 =	rddreg [dreg:$0x8]  }
0x13: {  	s7 =	rddreg [dreg:$0x7];
	s8 =	sadd.s32 $0x1, s8  }
0x14: {  	p0 =	sne.s32 s8, s7  }
.Ltmp1:
0x15: {  	_ = 	snop;
	(pc) =	sbr.rel @!p0 .LBB2_13-.Ltmp1, $1  }
0x16: {  	_ =	sdelay $0x3  }
.LBB2_1:
0x17: {  	[dreg:$0x8] =	wrdreg s8  }
0x18: {  	s7 =	rddreg [dreg:$0x3]  }
0x19: {  	[tilespmem:s3], [sflag:$0x3] =	stream.linear.gather [hbm4b:s7+s3], $0x100, $0x38;
	[tilespmem:$0x14400] =	vst v63  }
0x1a: {  	_ =	swait.ge [sflag:s14], $0x100  }
0x1b: {  	[sflag:s14] =	ssyncset.done $0x0  }
0x1c: {  	s13 =	simm.s32 $0x100;
	s9 =	rddreg [dreg:$0x4];
	[sflag:s14] =	ssyncadd.s32 $0xFFFFFF00  }
0x1d: {  	[tilespmem:s13], [sflag:$0x3] =	stream.linear.gather [hbm4b:s9+s3], $0x100, $0x38;
	[tilespmem:$0x14400] =	vst v63  }
0x1e: {  	_ =	swait.ge [sflag:s14], $0x100  }
0x1f: {  	[sflag:s14] =	ssyncset.done $0x0  }
0x20: {  	s17 =	simm.s32 $0x200;
	s16 =	rddreg [dreg:$0x5];
	[sflag:s14] =	ssyncadd.s32 $0xFFFFFF00  }
0x21: {  	[tilespmem:s17], [sflag:$0x3] =	stream.linear.gather [hbm4b:s16+s3], $0x100, $0x38;
	[tilespmem:$0x14400] =	vst v63  }
0x22: {  	_ =	swait.ge [sflag:s14], $0x100  }
0x23: {  	[sflag:s14] =	ssyncset.done $0x0  }
0x24: {  	s19 =	simm.s32 $0x300;
	s18 =	rddreg [dreg:$0x6];
	[sflag:s14] =	ssyncadd.s32 $0xFFFFFF00  }
0x25: {  	[tilespmem:s19], [sflag:$0x3] =	stream.linear.gather [hbm4b:s18+s3], $0x100, $0x38;
	[tilespmem:$0x14400] =	vst v63  }
0x26: {  	_ =	swait.ge [sflag:s14], $0x100  }
0x27: {  	[sflag:s14] =	ssyncset.done $0x0  }
0x28: {  	[sflag:s14] =	ssyncadd.s32 $0xFFFFFF00  }
0x29: {  	v4 =	vld [tilespmem:$0x0];
	_ =	sdelay $0x4  }
0x2a: {  	v5 =	vshll.u32 v4, $0x3  }
0x2b: {  	v4 =	vand.u32 $0x7, v4;
	v5 =	vand.u32 $0xFFFFFFC0, v5  }
0x2c: {  	v4 =	vor.u32 v4, v5  }
0x2d: {  	v5 =	vperm.xlane v4, v1;
	_ =	sdelay $0x1  }
0x2e: {  	v5 =	vadd.s32 v2, v5;
	_ =	sdelay $0x3  }
0x2f: {  	s9 =	simm.s32 $0x400  }
0x30: {  	v6 =	vld [tilespmem:$0x100];
	[tilespmem:s9], [sflag:$0x1] =	stream.indirect_vreg.gather [hbm4b:s5+s3], $0x80, v5, vm0, $0xb8  }
0x31: {  	s13 =	simm.s32 $0xC00;
	v4 =	vperm.xlane v4, v3  }
0x32: {  	[tilespmem:s13], [sflag:$0x1] =	stream.indirect_vreg.gather [hbm4b:s10+s3], $0x80, v5, vm0, $0xb8;
	[tilespmem:$0x14400] =	vst v63  }
0x33: {  	s16 =	simm.s32 $0x1400;
	v4 =	vadd.s32 v2, v4  }
0x34: {  	[tilespmem:s16], [sflag:$0x1] =	stream.indirect_vreg.gather [hbm4b:s11+s3], $0x80, v5, vm0, $0xb8;
	[tilespmem:$0x14400] =	vst v63  }
0x35: {  	s17 =	simm.s32 $0x1C00  }
0x36: {  	[tilespmem:s17], [sflag:$0x1] =	stream.indirect_vreg.gather [hbm4b:s12+s3], $0x80, v5, vm0, $0xb8;
	v5 =	vshll.u32 v6, $0x3;
	[tilespmem:$0x14400] =	vst v63  }
0x37: {  	s18 =	simm.s32 $0x2400;
	v6 =	vand.u32 $0x7, v6;
	v5 =	vand.u32 $0xFFFFFFC0, v5  }
0x38: {  	[tilespmem:s18], [sflag:$0x1] =	stream.indirect_vreg.gather [hbm4b:s5+s3], $0x80, v4, vm0, $0xb8;
	v5 =	vor.u32 v6, v5;
	[tilespmem:$0x14400] =	vst v63  }
0x39: {  	s19 =	simm.s32 $0x2C00;
	v6 =	vperm.xlane v5, v1  }
0x3a: {  	[tilespmem:s19], [sflag:$0x1] =	stream.indirect_vreg.gather [hbm4b:s10+s3], $0x80, v4, vm0, $0xb8;
	[tilespmem:$0x14400] =	vst v63  }
0x3b: {  	s8 =	simm.s32 $0x3400;
	v6 =	vadd.s32 v2, v6  }
0x3c: {  	[tilespmem:s8], [sflag:$0x1] =	stream.indirect_vreg.gather [hbm4b:s11+s3], $0x80, v4, vm0, $0xb8;
	[tilespmem:$0x14400] =	vst v63  }
0x3d: {  	s9 =	simm.s32 $0x3C00  }
0x3e: {  	[tilespmem:s9], [sflag:$0x1] =	stream.indirect_vreg.gather [hbm4b:s12+s3], $0x80, v4, vm0, $0xb8;
	[tilespmem:$0x14400] =	vst v63  }
0x3f: {  	s13 =	simm.s32 $0x4400  }
0x40: {  	[tilespmem:s13], [sflag:$0x1] =	stream.indirect_vreg.gather [hbm4b:s5+s3], $0x80, v6, vm0, $0xb8;
	[tilespmem:$0x14400] =	vst v63  }
0x41: {  	s16 =	simm.s32 $0x4C00;
	v4 =	vperm.xlane v5, v3  }
0x42: {  	[tilespmem:s16], [sflag:$0x1] =	stream.indirect_vreg.gather [hbm4b:s10+s3], $0x80, v6, vm0, $0xb8;
	[tilespmem:$0x14400] =	vst v63  }
0x43: {  	s17 =	simm.s32 $0x5400;
	v4 =	vadd.s32 v2, v4  }
0x44: {  	[tilespmem:s17], [sflag:$0x1] =	stream.indirect_vreg.gather [hbm4b:s11+s3], $0x80, v6, vm0, $0xb8;
	[tilespmem:$0x14400] =	vst v63  }
0x45: {  	s18 =	simm.s32 $0x5C00  }
0x46: {  	[tilespmem:s18], [sflag:$0x1] =	stream.indirect_vreg.gather [hbm4b:s12+s3], $0x80, v6, vm0, $0xb8;
	[tilespmem:$0x14400] =	vst v63  }
0x47: {  	s19 =	simm.s32 $0x6400  }
0x48: {  	[tilespmem:s19], [sflag:$0x1] =	stream.indirect_vreg.gather [hbm4b:s5+s3], $0x80, v4, vm0, $0xb8;
	[tilespmem:$0x14400] =	vst v63  }
0x49: {  	s8 =	simm.s32 $0x6C00  }
0x4a: {  	[tilespmem:s8], [sflag:$0x1] =	stream.indirect_vreg.gather [hbm4b:s10+s3], $0x80, v4, vm0, $0xb8;
	[tilespmem:$0x14400] =	vst v63  }
0x4b: {  	s9 =	simm.s32 $0x7400  }
0x4c: {  	[tilespmem:s9], [sflag:$0x1] =	stream.indirect_vreg.gather [hbm4b:s11+s3], $0x80, v4, vm0, $0xb8;
	[tilespmem:$0x14400] =	vst v63  }
0x4d: {  	s13 =	simm.s32 $0x7C00  }
0x4e: {  	[tilespmem:s13], [sflag:$0x1] =	stream.indirect_vreg.gather [hbm4b:s12+s3], $0x80, v4, vm0, $0xb8;
	[tilespmem:$0x14400] =	vst v63  }
0x4f: {  	v4 =	vld [tilespmem:$0x10];
	_ =	sdelay $0x4  }
0x50: {  	v5 =	vshll.u32 v4, $0x3  }
0x51: {  	v4 =	vand.u32 $0x7, v4;
	v5 =	vand.u32 $0xFFFFFFC0, v5  }
0x52: {  	v4 =	vor.u32 v4, v5  }
0x53: {  	v5 =	vperm.xlane v4, v1;
	_ =	sdelay $0x1  }
0x54: {  	v5 =	vadd.s32 v2, v5;
	_ =	sdelay $0x3  }
0x55: {  	s16 =	simm.s32 $0x8400  }
0x56: {  	v6 =	vld [tilespmem:$0x110];
	[tilespmem:s16], [sflag:$0x2] =	stream.indirect_vreg.gather [hbm4b:s5+s3], $0x80, v5, vm0, $0xb8  }
0x57: {  	s17 =	simm.s32 $0x8C00;
	v4 =	vperm.xlane v4, v3  }
0x58: {  	[tilespmem:s17], [sflag:$0x2] =	stream.indirect_vreg.gather [hbm4b:s10+s3], $0x80, v5, vm0, $0xb8;
	[tilespmem:$0x14400] =	vst v63  }
0x59: {  	s18 =	simm.s32 $0x9400;
	v4 =	vadd.s32 v2, v4  }
0x5a: {  	[tilespmem:s18], [sflag:$0x2] =	stream.indirect_vreg.gather [hbm4b:s11+s3], $0x80, v5, vm0, $0xb8;
	[tilespmem:$0x14400] =	vst v63  }
0x5b: {  	s19 =	simm.s32 $0x9C00  }
0x5c: {  	[tilespmem:s19], [sflag:$0x2] =	stream.indirect_vreg.gather [hbm4b:s12+s3], $0x80, v5, vm0, $0xb8;
	v5 =	vshll.u32 v6, $0x3;
	[tilespmem:$0x14400] =	vst v63  }
0x5d: {  	v6 =	vand.u32 $0x7, v6;
	v5 =	vand.u32 $0xFFFFFFC0, v5  }
0x5e: {  	[tilespmem:s20], [sflag:$0x2] =	stream.indirect_vreg.gather [hbm4b:s5+s3], $0x80, v4, vm0, $0xb8;
	v5 =	vor.u32 v6, v5;
	[tilespmem:$0x14400] =	vst v63  }
0x5f: {  	v6 =	vperm.xlane v5, v1  }
0x60: {  	[tilespmem:s21], [sflag:$0x2] =	stream.indirect_vreg.gather [hbm4b:s10+s3], $0x80, v4, vm0, $0xb8;
	[tilespmem:$0x14400] =	vst v63  }
0x61: {  	v6 =	vadd.s32 v2, v6  }
0x62: {  	[tilespmem:s22], [sflag:$0x2] =	stream.indirect_vreg.gather [hbm4b:s11+s3], $0x80, v4, vm0, $0xb8;
	[tilespmem:$0x14400] =	vst v63  }
0x63: {  	_ = 	snop  }
0x64: {  	[tilespmem:s23], [sflag:$0x2] =	stream.indirect_vreg.gather [hbm4b:s12+s3], $0x80, v4, vm0, $0xb8;
	[tilespmem:$0x14400] =	vst v63  }
0x65: {  	_ = 	snop  }
0x66: {  	[tilespmem:s24], [sflag:$0x2] =	stream.indirect_vreg.gather [hbm4b:s5+s3], $0x80, v6, vm0, $0xb8;
	[tilespmem:$0x14400] =	vst v63  }
0x67: {  	v4 =	vperm.xlane v5, v3  }
0x68: {  	[tilespmem:s25], [sflag:$0x2] =	stream.indirect_vreg.gather [hbm4b:s10+s3], $0x80, v6, vm0, $0xb8;
	[tilespmem:$0x14400] =	vst v63  }
0x69: {  	v4 =	vadd.s32 v2, v4  }
0x6a: {  	[tilespmem:s26], [sflag:$0x2] =	stream.indirect_vreg.gather [hbm4b:s11+s3], $0x80, v6, vm0, $0xb8;
	[tilespmem:$0x14400] =	vst v63  }
0x6b: {  	_ = 	snop  }
0x6c: {  	[tilespmem:s28], [sflag:$0x2] =	stream.indirect_vreg.gather [hbm4b:s12+s3], $0x80, v6, vm0, $0xb8;
	[tilespmem:$0x14400] =	vst v63  }
0x6d: {  	_ = 	snop  }
0x6e: {  	[tilespmem:s29], [sflag:$0x2] =	stream.indirect_vreg.gather [hbm4b:s5+s3], $0x80, v4, vm0, $0xb8;
	[tilespmem:$0x14400] =	vst v63  }
0x6f: {  	_ = 	snop  }
0x70: {  	[tilespmem:s30], [sflag:$0x2] =	stream.indirect_vreg.gather [hbm4b:s10+s3], $0x80, v4, vm0, $0xb8;
	[tilespmem:$0x14400] =	vst v63  }
0x71: {  	_ = 	snop  }
0x72: {  	[tilespmem:s31], [sflag:$0x2] =	stream.indirect_vreg.gather [hbm4b:s11+s3], $0x80, v4, vm0, $0xb8;
	[tilespmem:$0x14400] =	vst v63  }
0x73: {  	s8 =	simm.s32 $0x0  }
0x74: {  	[tilespmem:s1], [sflag:$0x2] =	stream.indirect_vreg.gather [hbm4b:s12+s3], $0x80, v4, vm0, $0xb8;
	[tilespmem:$0x14400] =	vst v63  }
.LBB2_2:
0x75: {  	_ =	swait.ge [sflag:s0], $0x4000  }
0x76: {  	[sflag:s0] =	ssyncset.done $0x0  }
0x77: {  	[sflag:s0] =	ssyncadd.s32 $0xFFFFC000  }
0x78: {  	_ =	swait.ge [sflag:s0], $0x4000  }
0x79: {  	[sflag:s0] =	ssyncset.done $0x0  }
0x7a: {  	s9 =	sshll.u32 s8, $0x5;
	[sflag:s0] =	ssyncadd.s32 $0xFFFFC000  }
0x7b: {  	v4 =	vld [tilespmem:s9+$0x200]  }
0x7c: {  	s13 =	simm.s32 $0x0;
	s7 =	simm.s32 $0x0;
	v5 =	vld [tilespmem:s9+$0x300]  }
.LBB2_3:
0x7d: {  	_ = 	snop  }
0x7e: {  	v6 =	vmov s7  }
0x7f: {  	s16 =	sshll.u32 s7, $0xC;
	s17 =	sand.u32 $0x7, s13;
	vm1 =	veq.s32 v6, v0  }
0x80: {  	s16 =	sand.u32 $0xFFFF8000, s16;
	s17 =	sshll.u32 s17, $0x9;
	v6 =	vnsel vm1, $0x0, v4  }
0x81: {  	s16 =	sor.u32 s17, s16;
	(xrf2) =	vadd.scan.msk.f32 $0xffff, v6;
	v6 =	vnsel vm1, $0x0, v5  }
0x82: {  	s17 =	sshrl.u32 s16, $0x2;
	(xrf2) =	vadd.scan.msk.f32 $0xffff, v6  }
0x83: {  	s16 =	sor.u32 $0x440, s17  }
0x84: {  	s18 =	sadd.s32 $0x4470, s17;
	v6 =	vmov s16  }
0x85: {  	v7 =	vmov s18;
	_ =	sdelay $0x2  }
0x86: {  	s16 =	simm.s32 $0x0  }
0x87: {  	v11 =	vld.idx.msk [tilespmem:v6+s16+$0xFFFFFFC0 ss:$0x1], $0xffff  }
0x88: {  	v12 =	vld.idx.msk [tilespmem:v7+s16+$0xFFFFFF90 ss:$0x1], $0xffff  }
0x89: {  	v8, _, _ =	vpop (xrf2)  }
0x8a: {  	v10, _, _ =	vpop (xrf2)  }
0x8b: {  	s17 =	sadd.s32 $0x10470, s17;
	v9 =	vbroadcast v8, $0xF;
	v10 =	vbroadcast v10, $0xF  }
0x8c: {  	v8 =	vmov s17  }
0x8d: {  	v11 =	vmul.f32 v11, v9;
	v12 =	vmul.f32 v12, v10;
	_ =	sdelay $0x1  }
0x8e: {  	v11 =	vadd.f32 v12, v11;
	_ =	sdelay $0x1  }
0x8f: {  	[tilespmem:v8+s16+$0xFFFFFF90 ss:$0x1] =	vst.idx.msk $0xffff, v11  }
0x90: {  	v11 =	vld.idx.msk [tilespmem:v6+s16+$0xFFFFFFD0 ss:$0x1], $0xffff  }
0x91: {  	v12 =	vld.idx.msk [tilespmem:v7+s16+$0xFFFFFFA0 ss:$0x1], $0xffff;
	_ =	sdelay $0x4  }
0x92: {  	v11 =	vmul.f32 v11, v9;
	v12 =	vmul.f32 v12, v10;
	_ =	sdelay $0x1  }
0x93: {  	v11 =	vadd.f32 v12, v11;
	_ =	sdelay $0x1  }
0x94: {  	[tilespmem:v8+s16+$0xFFFFFFA0 ss:$0x1] =	vst.idx.msk $0xffff, v11  }
0x95: {  	v11 =	vld.idx.msk [tilespmem:v6+s16+$0xFFFFFFE0 ss:$0x1], $0xffff  }
0x96: {  	v12 =	vld.idx.msk [tilespmem:v7+s16+$0xFFFFFFB0 ss:$0x1], $0xffff;
	_ =	sdelay $0x4  }
0x97: {  	v11 =	vmul.f32 v11, v9;
	v12 =	vmul.f32 v12, v10;
	_ =	sdelay $0x1  }
0x98: {  	v11 =	vadd.f32 v12, v11;
	_ =	sdelay $0x1  }
0x99: {  	[tilespmem:v8+s16+$0xFFFFFFB0 ss:$0x1] =	vst.idx.msk $0xffff, v11  }
0x9a: {  	v11 =	vld.idx.msk [tilespmem:v6+s16+$0xFFFFFFF0 ss:$0x1], $0xffff  }
0x9b: {  	v12 =	vld.idx.msk [tilespmem:v7+s16+$0xFFFFFFC0 ss:$0x1], $0xffff;
	_ =	sdelay $0x4  }
0x9c: {  	v11 =	vmul.f32 v11, v9;
	v12 =	vmul.f32 v12, v10;
	_ =	sdelay $0x1  }
0x9d: {  	v11 =	vadd.f32 v12, v11;
	_ =	sdelay $0x1  }
0x9e: {  	[tilespmem:v8+s16+$0xFFFFFFC0 ss:$0x1] =	vst.idx.msk $0xffff, v11  }
0x9f: {  	v11 =	vld.idx.msk [tilespmem:v6+s16+$0x0 ss:$0x1], $0xffff  }
0xa0: {  	v12 =	vld.idx.msk [tilespmem:v7+s16+$0xFFFFFFD0 ss:$0x1], $0xffff;
	_ =	sdelay $0x4  }
0xa1: {  	v11 =	vmul.f32 v11, v9;
	v12 =	vmul.f32 v12, v10;
	_ =	sdelay $0x1  }
0xa2: {  	v11 =	vadd.f32 v12, v11;
	_ =	sdelay $0x1  }
0xa3: {  	[tilespmem:v8+s16+$0xFFFFFFD0 ss:$0x1] =	vst.idx.msk $0xffff, v11  }
0xa4: {  	v11 =	vld.idx.msk [tilespmem:v6+s16+$0x10 ss:$0x1], $0xffff  }
0xa5: {  	v12 =	vld.idx.msk [tilespmem:v7+s16+$0xFFFFFFE0 ss:$0x1], $0xffff;
	_ =	sdelay $0x4  }
0xa6: {  	v11 =	vmul.f32 v11, v9;
	v12 =	vmul.f32 v12, v10;
	_ =	sdelay $0x1  }
0xa7: {  	v11 =	vadd.f32 v12, v11;
	_ =	sdelay $0x1  }
0xa8: {  	[tilespmem:v8+s16+$0xFFFFFFE0 ss:$0x1] =	vst.idx.msk $0xffff, v11  }
0xa9: {  	v11 =	vld.idx.msk [tilespmem:v6+s16+$0x20 ss:$0x1], $0xffff  }
0xaa: {  	v12 =	vld.idx.msk [tilespmem:v7+s16+$0xFFFFFFF0 ss:$0x1], $0xffff;
	_ =	sdelay $0x4  }
0xab: {  	v11 =	vmul.f32 v11, v9;
	v12 =	vmul.f32 v12, v10;
	_ =	sdelay $0x1  }
0xac: {  	v11 =	vadd.f32 v12, v11;
	_ =	sdelay $0x1  }
0xad: {  	[tilespmem:v8+s16+$0xFFFFFFF0 ss:$0x1] =	vst.idx.msk $0xffff, v11  }
0xae: {  	v11 =	vld.idx.msk [tilespmem:v6+s16+$0x30 ss:$0x1], $0xffff  }
0xaf: {  	s17 =	simm.s32 $0x1000;
	v12 =	vld.idx.msk [tilespmem:v7+s16+$0x0 ss:$0x1], $0xffff  }
.LBB2_4:
0xb0: {  	p0 =	sne.s32 s17, $0x7000;
	s18 =	smov.u32 s17;
	s17 =	sadd.s32 $0x1000, s17  }
0xb1: {  	_ =	sdelay $0x1  }
0xb2: {  	v11 =	vmul.f32 v11, v9  }
0xb3: {  	v12 =	vmul.f32 v12, v10;
	_ =	sdelay $0x1  }
0xb4: {  	v11 =	vadd.f32 v12, v11;
	_ =	sdelay $0x1  }
0xb5: {  	[tilespmem:v8+s16+$0x0 ss:$0x1] =	vst.idx.msk $0xffff, v11;
	s16 =	sshra.s32 s18, $0x2  }
0xb6: {  	v11 =	vld.idx.msk [tilespmem:v6+s16+$0xFFFFFFC0 ss:$0x1], $0xffff  }
0xb7: {  	v12 =	vld.idx.msk [tilespmem:v7+s16+$0xFFFFFF90 ss:$0x1], $0xffff;
	_ =	sdelay $0x4  }
0xb8: {  	v11 =	vmul.f32 v11, v9  }
0xb9: {  	v12 =	vmul.f32 v12, v10;
	_ =	sdelay $0x1  }
0xba: {  	v11 =	vadd.f32 v12, v11;
	_ =	sdelay $0x1  }
0xbb: {  	[tilespmem:v8+s16+$0xFFFFFF90 ss:$0x1] =	vst.idx.msk $0xffff, v11  }
0xbc: {  	v11 =	vld.idx.msk [tilespmem:v6+s16+$0xFFFFFFD0 ss:$0x1], $0xffff  }
0xbd: {  	v12 =	vld.idx.msk [tilespmem:v7+s16+$0xFFFFFFA0 ss:$0x1], $0xffff;
	_ =	sdelay $0x4  }
0xbe: {  	v11 =	vmul.f32 v11, v9  }
0xbf: {  	v12 =	vmul.f32 v12, v10;
	_ =	sdelay $0x1  }
0xc0: {  	v11 =	vadd.f32 v12, v11;
	_ =	sdelay $0x1  }
0xc1: {  	[tilespmem:v8+s16+$0xFFFFFFA0 ss:$0x1] =	vst.idx.msk $0xffff, v11  }
0xc2: {  	v11 =	vld.idx.msk [tilespmem:v6+s16+$0xFFFFFFE0 ss:$0x1], $0xffff  }
0xc3: {  	v12 =	vld.idx.msk [tilespmem:v7+s16+$0xFFFFFFB0 ss:$0x1], $0xffff;
	_ =	sdelay $0x4  }
0xc4: {  	v11 =	vmul.f32 v11, v9  }
0xc5: {  	v12 =	vmul.f32 v12, v10;
	_ =	sdelay $0x1  }
0xc6: {  	v11 =	vadd.f32 v12, v11;
	_ =	sdelay $0x1  }
0xc7: {  	[tilespmem:v8+s16+$0xFFFFFFB0 ss:$0x1] =	vst.idx.msk $0xffff, v11  }
0xc8: {  	v11 =	vld.idx.msk [tilespmem:v6+s16+$0xFFFFFFF0 ss:$0x1], $0xffff  }
0xc9: {  	v12 =	vld.idx.msk [tilespmem:v7+s16+$0xFFFFFFC0 ss:$0x1], $0xffff;
	_ =	sdelay $0x4  }
0xca: {  	v11 =	vmul.f32 v11, v9  }
0xcb: {  	v12 =	vmul.f32 v12, v10;
	_ =	sdelay $0x1  }
0xcc: {  	v11 =	vadd.f32 v12, v11;
	_ =	sdelay $0x1  }
0xcd: {  	[tilespmem:v8+s16+$0xFFFFFFC0 ss:$0x1] =	vst.idx.msk $0xffff, v11  }
0xce: {  	v11 =	vld.idx.msk [tilespmem:v6+s16+$0x0 ss:$0x1], $0xffff  }
0xcf: {  	v12 =	vld.idx.msk [tilespmem:v7+s16+$0xFFFFFFD0 ss:$0x1], $0xffff;
	_ =	sdelay $0x4  }
0xd0: {  	v11 =	vmul.f32 v11, v9  }
0xd1: {  	v12 =	vmul.f32 v12, v10;
	_ =	sdelay $0x1  }
0xd2: {  	v11 =	vadd.f32 v12, v11;
	_ =	sdelay $0x1  }
0xd3: {  	[tilespmem:v8+s16+$0xFFFFFFD0 ss:$0x1] =	vst.idx.msk $0xffff, v11  }
0xd4: {  	v11 =	vld.idx.msk [tilespmem:v6+s16+$0x10 ss:$0x1], $0xffff  }
0xd5: {  	v12 =	vld.idx.msk [tilespmem:v7+s16+$0xFFFFFFE0 ss:$0x1], $0xffff;
	_ =	sdelay $0x4  }
0xd6: {  	v11 =	vmul.f32 v11, v9  }
0xd7: {  	v12 =	vmul.f32 v12, v10;
	_ =	sdelay $0x1  }
0xd8: {  	v11 =	vadd.f32 v12, v11;
	_ =	sdelay $0x1  }
0xd9: {  	[tilespmem:v8+s16+$0xFFFFFFE0 ss:$0x1] =	vst.idx.msk $0xffff, v11  }
0xda: {  	v11 =	vld.idx.msk [tilespmem:v6+s16+$0x20 ss:$0x1], $0xffff  }
0xdb: {  	v12 =	vld.idx.msk [tilespmem:v7+s16+$0xFFFFFFF0 ss:$0x1], $0xffff;
	_ =	sdelay $0x4  }
0xdc: {  	v11 =	vmul.f32 v11, v9  }
0xdd: {  	v12 =	vmul.f32 v12, v10;
	_ =	sdelay $0x1  }
.Ltmp2:
0xde: {  	v11 =	vadd.f32 v12, v11;
	(pc) =	sbr.rel @p0 .LBB2_4-.Ltmp2, $4  }
0xdf: {  	_ = 	snop  }
0xe0: {  	[tilespmem:v8+s16+$0xFFFFFFF0 ss:$0x1] =	vst.idx.msk $0xffff, v11  }
0xe1: {  	v11 =	vld.idx.msk [tilespmem:v6+s16+$0x30 ss:$0x1], $0xffff  }
0xe2: {  	v12 =	vld.idx.msk [tilespmem:v7+s16+$0x0 ss:$0x1], $0xffff  }
0xe3: {  	_ =	sdelay $0x1  }
0xe4: {  	s7 =	sadd.s32 $0x1, s7  }
0xe5: {  	p0 =	sne.s32 s7, $0x10  }
.Ltmp3:
0xe6: {  	v6 =	vmul.f32 v11, v9;
	v7 =	vmul.f32 v12, v10;
	(pc) =	sbr.rel @p0 .LBB2_3-.Ltmp3, $3  }
0xe7: {  	_ = 	snop  }
0xe8: {  	v6 =	vadd.f32 v7, v6;
	_ =	sdelay $0x1  }
0xe9: {  	s13 =	sadd.s32 $0x1, s13;
	[tilespmem:v8+s16+$0x0 ss:$0x1] =	vst.idx.msk $0xffff, v6  }
0xea: {  	s7 =	sadd.s32 s4, s9  }
0xeb: {  	s7 =	sshll.u32 s7, $0x7  }
0xec: {  	s7 =	sadd.s32 s2, s7  }
0xed: {  	[hbm4b:s7+s3] =	stream.linear.scatter [tilespmem:s15], [sflag:$0x3], $0x4000, $0x38;
	[tilespmem:$0x14400] =	vst v63  }
0xee: {  	_ =	swait.ge [sflag:s14], $0x4000  }
0xef: {  	[sflag:s14] =	ssyncset.done $0x0  }
0xf0: {  	p0 =	seq.s32 s8, $0x7;
	[sflag:s14] =	ssyncadd.s32 $0xFFFFC000  }
0xf1: {  	v4 =	vld @!p0 [tilespmem:s9+$0x20];
	_ =	sdelay $0x4  }
0xf2: {  	v5 =	vshll.u32 @!p0 v4, $0x3  }
0xf3: {  	v6 =	vlaneseq.u32 @!p0;
	v4 =	vand.u32 @!p0 $0x7, v4;
	v5 =	vand.u32 @!p0 $0xFFFFFFC0, v5  }
0xf4: {  	v7 =	vshrl.u32 @!p0 v6, $0x3;
	v4 =	vor.u32 @!p0 v4, v5;
	v5 =	vand.u32 @!p0 $0x7, v6  }
0xf5: {  	v7 =	vmul.u32 @!p0 $0x8, v7;
	v8 =	vperm.xlane @!p0 v4, v5;
	_ =	sdelay $0x1  }
0xf6: {  	v8 =	vadd.s32 @!p0 v7, v8;
	_ =	sdelay $0x3  }
0xf7: {  	vm1 =	vmmov @!p0 $0xffff;
	s13 =	simm.s32 @!p0 $0x400;
	s7 =	simm.s32 @!p0 $0x0  }
0xf8: {  	v9 =	vld @!p0 [tilespmem:s9+$0x120];
	v6 =	vor.u32 @!p0 $0x8, v6;
	[tilespmem:s13], [sflag:$0x1] =	stream.indirect_vreg.gather @!p0 [hbm4b:s5+s7], $0x80, v8, vm1, $0xb8;
	[tilespmem:$0x14400] =	vst v63  }
0xf9: {  	v4 =	vperm.xlane @!p0 v4, v6;
	s13 =	simm.s32 @!p0 $0xC00  }
0xfa: {  	[tilespmem:s13], [sflag:$0x1] =	stream.indirect_vreg.gather @!p0 [hbm4b:s10+s7], $0x80, v8, vm1, $0xb8;
	[tilespmem:$0x14400] =	vst v63  }
0xfb: {  	v4 =	vadd.s32 @!p0 v7, v4;
	s13 =	simm.s32 @!p0 $0x1400  }
0xfc: {  	[tilespmem:s13], [sflag:$0x1] =	stream.indirect_vreg.gather @!p0 [hbm4b:s11+s7], $0x80, v8, vm1, $0xb8;
	[tilespmem:$0x14400] =	vst v63  }
0xfd: {  	s13 =	simm.s32 @!p0 $0x1C00  }
0xfe: {  	[tilespmem:s13], [sflag:$0x1] =	stream.indirect_vreg.gather @!p0 [hbm4b:s12+s7], $0x80, v8, vm1, $0xb8;
	v8 =	vshll.u32 @!p0 v9, $0x3;
	[tilespmem:$0x14400] =	vst v63  }
0xff: {  	s13 =	simm.s32 @!p0 $0x2400;
	v9 =	vand.u32 @!p0 $0x7, v9;
	v8 =	vand.u32 @!p0 $0xFFFFFFC0, v8  }
0x100: {  	[tilespmem:s13], [sflag:$0x1] =	stream.indirect_vreg.gather @!p0 [hbm4b:s5+s7], $0x80, v4, vm1, $0xb8;
	v8 =	vor.u32 @!p0 v9, v8;
	[tilespmem:$0x14400] =	vst v63  }
0x101: {  	s13 =	simm.s32 @!p0 $0x2C00;
	v5 =	vperm.xlane @!p0 v8, v5  }
0x102: {  	[tilespmem:s13], [sflag:$0x1] =	stream.indirect_vreg.gather @!p0 [hbm4b:s10+s7], $0x80, v4, vm1, $0xb8;
	[tilespmem:$0x14400] =	vst v63  }
0x103: {  	s13 =	simm.s32 @!p0 $0x3400;
	v5 =	vadd.s32 @!p0 v7, v5  }
0x104: {  	[tilespmem:s13], [sflag:$0x1] =	stream.indirect_vreg.gather @!p0 [hbm4b:s11+s7], $0x80, v4, vm1, $0xb8;
	[tilespmem:$0x14400] =	vst v63  }
0x105: {  	s13 =	simm.s32 @!p0 $0x3C00  }
0x106: {  	[tilespmem:s13], [sflag:$0x1] =	stream.indirect_vreg.gather @!p0 [hbm4b:s12+s7], $0x80, v4, vm1, $0xb8;
	[tilespmem:$0x14400] =	vst v63  }
0x107: {  	s13 =	simm.s32 @!p0 $0x4400  }
0x108: {  	[tilespmem:s13], [sflag:$0x1] =	stream.indirect_vreg.gather @!p0 [hbm4b:s5+s7], $0x80, v5, vm1, $0xb8;
	[tilespmem:$0x14400] =	vst v63  }
0x109: {  	v4 =	vperm.xlane @!p0 v8, v6;
	s13 =	simm.s32 @!p0 $0x4C00  }
0x10a: {  	[tilespmem:s13], [sflag:$0x1] =	stream.indirect_vreg.gather @!p0 [hbm4b:s10+s7], $0x80, v5, vm1, $0xb8;
	[tilespmem:$0x14400] =	vst v63  }
0x10b: {  	v4 =	vadd.s32 @!p0 v7, v4;
	s13 =	simm.s32 @!p0 $0x5400  }
0x10c: {  	[tilespmem:s13], [sflag:$0x1] =	stream.indirect_vreg.gather @!p0 [hbm4b:s11+s7], $0x80, v5, vm1, $0xb8;
	[tilespmem:$0x14400] =	vst v63  }
0x10d: {  	s13 =	simm.s32 @!p0 $0x5C00  }
0x10e: {  	[tilespmem:s13], [sflag:$0x1] =	stream.indirect_vreg.gather @!p0 [hbm4b:s12+s7], $0x80, v5, vm1, $0xb8;
	[tilespmem:$0x14400] =	vst v63  }
0x10f: {  	s13 =	simm.s32 @!p0 $0x6400  }
0x110: {  	[tilespmem:s13], [sflag:$0x1] =	stream.indirect_vreg.gather @!p0 [hbm4b:s5+s7], $0x80, v4, vm1, $0xb8;
	[tilespmem:$0x14400] =	vst v63  }
0x111: {  	s13 =	simm.s32 @!p0 $0x6C00  }
0x112: {  	[tilespmem:s13], [sflag:$0x1] =	stream.indirect_vreg.gather @!p0 [hbm4b:s10+s7], $0x80, v4, vm1, $0xb8;
	[tilespmem:$0x14400] =	vst v63  }
0x113: {  	s13 =	simm.s32 @!p0 $0x7400  }
0x114: {  	[tilespmem:s13], [sflag:$0x1] =	stream.indirect_vreg.gather @!p0 [hbm4b:s11+s7], $0x80, v4, vm1, $0xb8;
	[tilespmem:$0x14400] =	vst v63  }
0x115: {  	s13 =	simm.s32 @!p0 $0x7C00  }
0x116: {  	[tilespmem:s13], [sflag:$0x1] =	stream.indirect_vreg.gather @!p0 [hbm4b:s12+s7], $0x80, v4, vm1, $0xb8;
	[tilespmem:$0x14400] =	vst v63  }
0x117: {  	_ =	swait.ge [sflag:s6], $0x4000  }
0x118: {  	[sflag:s6] =	ssyncset.done $0x0  }
0x119: {  	[sflag:s6] =	ssyncadd.s32 $0xFFFFC000  }
0x11a: {  	_ =	swait.ge [sflag:s6], $0x4000  }
0x11b: {  	[sflag:s6] =	ssyncset.done $0x0  }
0x11c: {  	[sflag:s6] =	ssyncadd.s32 $0xFFFFC000  }
0x11d: {  	v4 =	vld [tilespmem:s9+$0x210]  }
0x11e: {  	s16 =	simm.s32 $0x0;
	s13 =	sor.u32 $0x10, s9;
	s7 =	simm.s32 $0x0;
	v5 =	vld [tilespmem:s9+$0x310]  }
.LBB2_7:
0x11f: {  	_ = 	snop  }
0x120: {  	v6 =	vmov s16  }
0x121: {  	s17 =	sshll.u32 s16, $0xC;
	s18 =	sand.u32 $0x7, s7;
	vm1 =	veq.s32 v6, v0  }
0x122: {  	s17 =	sand.u32 $0xFFFF8000, s17;
	s18 =	sshll.u32 s18, $0x9;
	v6 =	vnsel vm1, $0x0, v4  }
0x123: {  	s17 =	sor.u32 s18, s17;
	(xrf2) =	vadd.scan.msk.f32 $0xffff, v6;
	v6 =	vnsel vm1, $0x0, v5  }
0x124: {  	s18 =	sshrl.u32 s17, $0x2;
	(xrf2) =	vadd.scan.msk.f32 $0xffff, v6  }
0x125: {  	s17 =	sadd.s32 $0x8440, s18  }
0x126: {  	s19 =	sadd.s32 $0xC470, s18;
	v6 =	vmov s17  }
0x127: {  	v7 =	vmov s19;
	_ =	sdelay $0x2  }
0x128: {  	s17 =	simm.s32 $0x0  }
0x129: {  	v11 =	vld.idx.msk [tilespmem:v6+s17+$0xFFFFFFC0 ss:$0x1], $0xffff  }
0x12a: {  	v12 =	vld.idx.msk [tilespmem:v7+s17+$0xFFFFFF90 ss:$0x1], $0xffff  }
0x12b: {  	v8, _, _ =	vpop (xrf2)  }
0x12c: {  	v10, _, _ =	vpop (xrf2)  }
0x12d: {  	s18 =	sadd.s32 $0x10470, s18;
	v9 =	vbroadcast v8, $0xF;
	v10 =	vbroadcast v10, $0xF  }
0x12e: {  	v8 =	vmov s18  }
0x12f: {  	v11 =	vmul.f32 v11, v9;
	v12 =	vmul.f32 v12, v10;
	_ =	sdelay $0x1  }
0x130: {  	v11 =	vadd.f32 v12, v11;
	_ =	sdelay $0x1  }
0x131: {  	[tilespmem:v8+s17+$0xFFFFFF90 ss:$0x1] =	vst.idx.msk $0xffff, v11  }
0x132: {  	v11 =	vld.idx.msk [tilespmem:v6+s17+$0xFFFFFFD0 ss:$0x1], $0xffff  }
0x133: {  	v12 =	vld.idx.msk [tilespmem:v7+s17+$0xFFFFFFA0 ss:$0x1], $0xffff;
	_ =	sdelay $0x4  }
0x134: {  	v11 =	vmul.f32 v11, v9;
	v12 =	vmul.f32 v12, v10;
	_ =	sdelay $0x1  }
0x135: {  	v11 =	vadd.f32 v12, v11;
	_ =	sdelay $0x1  }
0x136: {  	[tilespmem:v8+s17+$0xFFFFFFA0 ss:$0x1] =	vst.idx.msk $0xffff, v11  }
0x137: {  	v11 =	vld.idx.msk [tilespmem:v6+s17+$0xFFFFFFE0 ss:$0x1], $0xffff  }
0x138: {  	v12 =	vld.idx.msk [tilespmem:v7+s17+$0xFFFFFFB0 ss:$0x1], $0xffff;
	_ =	sdelay $0x4  }
0x139: {  	v11 =	vmul.f32 v11, v9;
	v12 =	vmul.f32 v12, v10;
	_ =	sdelay $0x1  }
0x13a: {  	v11 =	vadd.f32 v12, v11;
	_ =	sdelay $0x1  }
0x13b: {  	[tilespmem:v8+s17+$0xFFFFFFB0 ss:$0x1] =	vst.idx.msk $0xffff, v11  }
0x13c: {  	v11 =	vld.idx.msk [tilespmem:v6+s17+$0xFFFFFFF0 ss:$0x1], $0xffff  }
0x13d: {  	v12 =	vld.idx.msk [tilespmem:v7+s17+$0xFFFFFFC0 ss:$0x1], $0xffff;
	_ =	sdelay $0x4  }
0x13e: {  	v11 =	vmul.f32 v11, v9;
	v12 =	vmul.f32 v12, v10;
	_ =	sdelay $0x1  }
0x13f: {  	v11 =	vadd.f32 v12, v11;
	_ =	sdelay $0x1  }
0x140: {  	[tilespmem:v8+s17+$0xFFFFFFC0 ss:$0x1] =	vst.idx.msk $0xffff, v11  }
0x141: {  	v11 =	vld.idx.msk [tilespmem:v6+s17+$0x0 ss:$0x1], $0xffff  }
0x142: {  	v12 =	vld.idx.msk [tilespmem:v7+s17+$0xFFFFFFD0 ss:$0x1], $0xffff;
	_ =	sdelay $0x4  }
0x143: {  	v11 =	vmul.f32 v11, v9;
	v12 =	vmul.f32 v12, v10;
	_ =	sdelay $0x1  }
0x144: {  	v11 =	vadd.f32 v12, v11;
	_ =	sdelay $0x1  }
0x145: {  	[tilespmem:v8+s17+$0xFFFFFFD0 ss:$0x1] =	vst.idx.msk $0xffff, v11  }
0x146: {  	v11 =	vld.idx.msk [tilespmem:v6+s17+$0x10 ss:$0x1], $0xffff  }
0x147: {  	v12 =	vld.idx.msk [tilespmem:v7+s17+$0xFFFFFFE0 ss:$0x1], $0xffff;
	_ =	sdelay $0x4  }
0x148: {  	v11 =	vmul.f32 v11, v9;
	v12 =	vmul.f32 v12, v10;
	_ =	sdelay $0x1  }
0x149: {  	v11 =	vadd.f32 v12, v11;
	_ =	sdelay $0x1  }
0x14a: {  	[tilespmem:v8+s17+$0xFFFFFFE0 ss:$0x1] =	vst.idx.msk $0xffff, v11  }
0x14b: {  	v11 =	vld.idx.msk [tilespmem:v6+s17+$0x20 ss:$0x1], $0xffff  }
0x14c: {  	v12 =	vld.idx.msk [tilespmem:v7+s17+$0xFFFFFFF0 ss:$0x1], $0xffff;
	_ =	sdelay $0x4  }
0x14d: {  	v11 =	vmul.f32 v11, v9;
	v12 =	vmul.f32 v12, v10;
	_ =	sdelay $0x1  }
0x14e: {  	v11 =	vadd.f32 v12, v11;
	_ =	sdelay $0x1  }
0x14f: {  	[tilespmem:v8+s17+$0xFFFFFFF0 ss:$0x1] =	vst.idx.msk $0xffff, v11  }
0x150: {  	v11 =	vld.idx.msk [tilespmem:v6+s17+$0x30 ss:$0x1], $0xffff  }
0x151: {  	s18 =	simm.s32 $0x1000;
	v12 =	vld.idx.msk [tilespmem:v7+s17+$0x0 ss:$0x1], $0xffff  }
.LBB2_8:
0x152: {  	p1 =	sne.s32 s18, $0x7000;
	s19 =	smov.u32 s18;
	s18 =	sadd.s32 $0x1000, s18  }
0x153: {  	_ =	sdelay $0x1  }
0x154: {  	v11 =	vmul.f32 v11, v9  }
0x155: {  	v12 =	vmul.f32 v12, v10;
	_ =	sdelay $0x1  }
0x156: {  	v11 =	vadd.f32 v12, v11;
	_ =	sdelay $0x1  }
0x157: {  	[tilespmem:v8+s17+$0x0 ss:$0x1] =	vst.idx.msk $0xffff, v11;
	s17 =	sshra.s32 s19, $0x2  }
0x158: {  	v11 =	vld.idx.msk [tilespmem:v6+s17+$0xFFFFFFC0 ss:$0x1], $0xffff  }
0x159: {  	v12 =	vld.idx.msk [tilespmem:v7+s17+$0xFFFFFF90 ss:$0x1], $0xffff;
	_ =	sdelay $0x4  }
0x15a: {  	v11 =	vmul.f32 v11, v9  }
0x15b: {  	v12 =	vmul.f32 v12, v10;
	_ =	sdelay $0x1  }
0x15c: {  	v11 =	vadd.f32 v12, v11;
	_ =	sdelay $0x1  }
0x15d: {  	[tilespmem:v8+s17+$0xFFFFFF90 ss:$0x1] =	vst.idx.msk $0xffff, v11  }
0x15e: {  	v11 =	vld.idx.msk [tilespmem:v6+s17+$0xFFFFFFD0 ss:$0x1], $0xffff  }
0x15f: {  	v12 =	vld.idx.msk [tilespmem:v7+s17+$0xFFFFFFA0 ss:$0x1], $0xffff;
	_ =	sdelay $0x4  }
0x160: {  	v11 =	vmul.f32 v11, v9  }
0x161: {  	v12 =	vmul.f32 v12, v10;
	_ =	sdelay $0x1  }
0x162: {  	v11 =	vadd.f32 v12, v11;
	_ =	sdelay $0x1  }
0x163: {  	[tilespmem:v8+s17+$0xFFFFFFA0 ss:$0x1] =	vst.idx.msk $0xffff, v11  }
0x164: {  	v11 =	vld.idx.msk [tilespmem:v6+s17+$0xFFFFFFE0 ss:$0x1], $0xffff  }
0x165: {  	v12 =	vld.idx.msk [tilespmem:v7+s17+$0xFFFFFFB0 ss:$0x1], $0xffff;
	_ =	sdelay $0x4  }
0x166: {  	v11 =	vmul.f32 v11, v9  }
0x167: {  	v12 =	vmul.f32 v12, v10;
	_ =	sdelay $0x1  }
0x168: {  	v11 =	vadd.f32 v12, v11;
	_ =	sdelay $0x1  }
0x169: {  	[tilespmem:v8+s17+$0xFFFFFFB0 ss:$0x1] =	vst.idx.msk $0xffff, v11  }
0x16a: {  	v11 =	vld.idx.msk [tilespmem:v6+s17+$0xFFFFFFF0 ss:$0x1], $0xffff  }
0x16b: {  	v12 =	vld.idx.msk [tilespmem:v7+s17+$0xFFFFFFC0 ss:$0x1], $0xffff;
	_ =	sdelay $0x4  }
0x16c: {  	v11 =	vmul.f32 v11, v9  }
0x16d: {  	v12 =	vmul.f32 v12, v10;
	_ =	sdelay $0x1  }
0x16e: {  	v11 =	vadd.f32 v12, v11;
	_ =	sdelay $0x1  }
0x16f: {  	[tilespmem:v8+s17+$0xFFFFFFC0 ss:$0x1] =	vst.idx.msk $0xffff, v11  }
0x170: {  	v11 =	vld.idx.msk [tilespmem:v6+s17+$0x0 ss:$0x1], $0xffff  }
0x171: {  	v12 =	vld.idx.msk [tilespmem:v7+s17+$0xFFFFFFD0 ss:$0x1], $0xffff;
	_ =	sdelay $0x4  }
0x172: {  	v11 =	vmul.f32 v11, v9  }
0x173: {  	v12 =	vmul.f32 v12, v10;
	_ =	sdelay $0x1  }
0x174: {  	v11 =	vadd.f32 v12, v11;
	_ =	sdelay $0x1  }
0x175: {  	[tilespmem:v8+s17+$0xFFFFFFD0 ss:$0x1] =	vst.idx.msk $0xffff, v11  }
0x176: {  	v11 =	vld.idx.msk [tilespmem:v6+s17+$0x10 ss:$0x1], $0xffff  }
0x177: {  	v12 =	vld.idx.msk [tilespmem:v7+s17+$0xFFFFFFE0 ss:$0x1], $0xffff;
	_ =	sdelay $0x4  }
0x178: {  	v11 =	vmul.f32 v11, v9  }
0x179: {  	v12 =	vmul.f32 v12, v10;
	_ =	sdelay $0x1  }
0x17a: {  	v11 =	vadd.f32 v12, v11;
	_ =	sdelay $0x1  }
0x17b: {  	[tilespmem:v8+s17+$0xFFFFFFE0 ss:$0x1] =	vst.idx.msk $0xffff, v11  }
0x17c: {  	v11 =	vld.idx.msk [tilespmem:v6+s17+$0x20 ss:$0x1], $0xffff  }
0x17d: {  	v12 =	vld.idx.msk [tilespmem:v7+s17+$0xFFFFFFF0 ss:$0x1], $0xffff;
	_ =	sdelay $0x4  }
0x17e: {  	v11 =	vmul.f32 v11, v9  }
0x17f: {  	v12 =	vmul.f32 v12, v10;
	_ =	sdelay $0x1  }
.Ltmp4:
0x180: {  	v11 =	vadd.f32 v12, v11;
	(pc) =	sbr.rel @p1 .LBB2_8-.Ltmp4, $4  }
0x181: {  	_ = 	snop  }
0x182: {  	[tilespmem:v8+s17+$0xFFFFFFF0 ss:$0x1] =	vst.idx.msk $0xffff, v11  }
0x183: {  	v11 =	vld.idx.msk [tilespmem:v6+s17+$0x30 ss:$0x1], $0xffff  }
0x184: {  	v12 =	vld.idx.msk [tilespmem:v7+s17+$0x0 ss:$0x1], $0xffff  }
0x185: {  	_ =	sdelay $0x1  }
0x186: {  	s16 =	sadd.s32 $0x1, s16  }
0x187: {  	p1 =	sne.s32 s16, $0x10  }
.Ltmp5:
0x188: {  	v6 =	vmul.f32 v11, v9;
	v7 =	vmul.f32 v12, v10;
	(pc) =	sbr.rel @p1 .LBB2_7-.Ltmp5, $3  }
0x189: {  	_ = 	snop  }
0x18a: {  	v6 =	vadd.f32 v7, v6;
	_ =	sdelay $0x1  }
0x18b: {  	s7 =	sadd.s32 $0x1, s7;
	[tilespmem:v8+s17+$0x0 ss:$0x1] =	vst.idx.msk $0xffff, v6  }
0x18c: {  	s7 =	sadd.s32 s4, s13  }
0x18d: {  	s7 =	sshll.u32 s7, $0x7  }
.Ltmp6:
0x18e: {  	s7 =	sadd.s32 s2, s7;
	(pc) =	sbr.rel @p0 .LBB2_12-.Ltmp6, $4  }
0x18f: {  	[hbm4b:s7+s3] =	stream.linear.scatter [tilespmem:s15], [sflag:$0x3], $0x4000, $0x38;
	[tilespmem:$0x14400] =	vst v63  }
0x190: {  	_ =	swait.ge [sflag:s14], $0x4000  }
0x191: {  	[sflag:s14] =	ssyncset.done $0x0  }
0x192: {  	[sflag:s14] =	ssyncadd.s32 $0xFFFFC000  }
0x193: {  	v4 =	vld [tilespmem:s9+$0x30];
	_ =	sdelay $0x4  }
0x194: {  	v5 =	vshll.u32 v4, $0x3  }
0x195: {  	v4 =	vand.u32 $0x7, v4;
	v5 =	vand.u32 $0xFFFFFFC0, v5  }
0x196: {  	v4 =	vor.u32 v4, v5  }
0x197: {  	v5 =	vperm.xlane v4, v1;
	_ =	sdelay $0x1  }
0x198: {  	v5 =	vadd.s32 v2, v5;
	_ =	sdelay $0x3  }
0x199: {  	s7 =	simm.s32 $0x8400  }
0x19a: {  	v6 =	vld [tilespmem:s9+$0x130];
	[tilespmem:s7], [sflag:$0x2] =	stream.indirect_vreg.gather [hbm4b:s5+s3], $0x80, v5, vm0, $0xb8  }
0x19b: {  	s17 =	simm.s32 $0x8C00;
	v4 =	vperm.xlane v4, v3  }
0x19c: {  	[tilespmem:s17], [sflag:$0x2] =	stream.indirect_vreg.gather [hbm4b:s10+s3], $0x80, v5, vm0, $0xb8;
	[tilespmem:$0x14400] =	vst v63  }
0x19d: {  	s18 =	simm.s32 $0x9400;
	v4 =	vadd.s32 v2, v4  }
0x19e: {  	[tilespmem:s18], [sflag:$0x2] =	stream.indirect_vreg.gather [hbm4b:s11+s3], $0x80, v5, vm0, $0xb8;
	[tilespmem:$0x14400] =	vst v63  }
0x19f: {  	s19 =	simm.s32 $0x9C00  }
0x1a0: {  	[tilespmem:s19], [sflag:$0x2] =	stream.indirect_vreg.gather [hbm4b:s12+s3], $0x80, v5, vm0, $0xb8;
	v5 =	vshll.u32 v6, $0x3;
	[tilespmem:$0x14400] =	vst v63  }
0x1a1: {  	v6 =	vand.u32 $0x7, v6;
	v5 =	vand.u32 $0xFFFFFFC0, v5  }
0x1a2: {  	[tilespmem:s20], [sflag:$0x2] =	stream.indirect_vreg.gather [hbm4b:s5+s3], $0x80, v4, vm0, $0xb8;
	v5 =	vor.u32 v6, v5;
	[tilespmem:$0x14400] =	vst v63  }
0x1a3: {  	v6 =	vperm.xlane v5, v1  }
0x1a4: {  	[tilespmem:s21], [sflag:$0x2] =	stream.indirect_vreg.gather [hbm4b:s10+s3], $0x80, v4, vm0, $0xb8;
	[tilespmem:$0x14400] =	vst v63  }
0x1a5: {  	v6 =	vadd.s32 v2, v6  }
0x1a6: {  	[tilespmem:s22], [sflag:$0x2] =	stream.indirect_vreg.gather [hbm4b:s11+s3], $0x80, v4, vm0, $0xb8;
	[tilespmem:$0x14400] =	vst v63  }
0x1a7: {  	_ = 	snop  }
0x1a8: {  	[tilespmem:s23], [sflag:$0x2] =	stream.indirect_vreg.gather [hbm4b:s12+s3], $0x80, v4, vm0, $0xb8;
	[tilespmem:$0x14400] =	vst v63  }
0x1a9: {  	_ = 	snop  }
0x1aa: {  	[tilespmem:s24], [sflag:$0x2] =	stream.indirect_vreg.gather [hbm4b:s5+s3], $0x80, v6, vm0, $0xb8;
	[tilespmem:$0x14400] =	vst v63  }
0x1ab: {  	v4 =	vperm.xlane v5, v3  }
0x1ac: {  	[tilespmem:s25], [sflag:$0x2] =	stream.indirect_vreg.gather [hbm4b:s10+s3], $0x80, v6, vm0, $0xb8;
	[tilespmem:$0x14400] =	vst v63  }
0x1ad: {  	v4 =	vadd.s32 v2, v4  }
0x1ae: {  	[tilespmem:s26], [sflag:$0x2] =	stream.indirect_vreg.gather [hbm4b:s11+s3], $0x80, v6, vm0, $0xb8;
	[tilespmem:$0x14400] =	vst v63  }
0x1af: {  	_ = 	snop  }
0x1b0: {  	[tilespmem:s28], [sflag:$0x2] =	stream.indirect_vreg.gather [hbm4b:s12+s3], $0x80, v6, vm0, $0xb8;
	[tilespmem:$0x14400] =	vst v63  }
0x1b1: {  	_ = 	snop  }
0x1b2: {  	[tilespmem:s29], [sflag:$0x2] =	stream.indirect_vreg.gather [hbm4b:s5+s3], $0x80, v4, vm0, $0xb8;
	[tilespmem:$0x14400] =	vst v63  }
0x1b3: {  	_ = 	snop  }
0x1b4: {  	[tilespmem:s30], [sflag:$0x2] =	stream.indirect_vreg.gather [hbm4b:s10+s3], $0x80, v4, vm0, $0xb8;
	[tilespmem:$0x14400] =	vst v63  }
.Ltmp7:
0x1b5: {  	_ = 	snop;
	(pc) =	sbr.rel .LBB2_2-.Ltmp7, $4  }
0x1b6: {  	_ = 	snop  }
0x1b7: {  	[tilespmem:s31], [sflag:$0x2] =	stream.indirect_vreg.gather [hbm4b:s11+s3], $0x80, v4, vm0, $0xb8;
	[tilespmem:$0x14400] =	vst v63  }
0x1b8: {  	s8 =	sadd.s32 $0x1, s8  }
0x1b9: {  	[tilespmem:s1], [sflag:$0x2] =	stream.indirect_vreg.gather [hbm4b:s12+s3], $0x80, v4, vm0, $0xb8;
	[tilespmem:$0x14400] =	vst v63  }
.LBB2_13:
0x1ba: {  	_ =	sfence.sel $0x180000  }
0x1bb: {  	[bflag:$0x0] =	sbarrier.arrive $0xFFFF  }
0x1bc: {  	_ =	strace $0x9000004A  }
0x1bd: {  	s0 =	stileid.u32;
	[bflag:$0x2] =	sbarrier.arrive $0xFFFF  }
0x1be: {  	p0 =	sne.s32 s0, $0x0;
	s0 =	rddreg [dreg:$0x2]  }
0x1bf: {  	s0 =	sadd.s32 @!p0 $0x100000, s0  }
0x1c0: {  	[sflag:s0] =	ssyncadd.tile.s32 @!p0 $0x1;
	_ =	shalt  }
.Lfunc_end2:
_tile_overlayer_lowered:
.L_overlay_start_2:
0x1c1: {  	(tag) =	ssettag $0x2  }
0x1c2: {  	s0 =	rddreg [dreg:$0x0];
	s2 =	stileid.u32  }
0x1c3: {  	s1 =	rddreg [dreg:$0x1];
	p0 =	sne.s32 s2, $0x0  }
0x1c4: {  	s3 =	rddreg [dreg:$0x2];
	[bflag:$0x3] =	sbarrier.arrive $0xFFFF;
	s2 =	simm.s32 @!p0 $0x1C03  }
0x1c5: {  	[timem:s3], [sflag:s2] =	dma.local @!p0 [hbm:s0], s1  }
0x1c6: {  	s0 =	simm.s32 @!p0 $0x3  }
0x1c7: {  	_ =	swait.ge @!p0 [sflag:s0], s1  }
0x1c8: {  	s1 =	ssub.s32 @!p0 $0x0, s1;
	[sflag:s0] =	ssyncset.done @!p0 $0x0  }
0x1c9: {  	[sflag:s0] =	ssyncadd.s32 @!p0 s1  }
0x1ca: {  	[bflag:$0x3] =	sbarrier.arrive $0xFFFF  }
0x1cb: {  	_ =	shalt  }

</sc_bundles>
